<compile_context>
chip_gen: v7x
topology: tpu7x:2x2x1
jax: 0.10.2.dev20260603
libtpu: 0.0.44.dev20260713+nightly
codegen_flags: <defaults>
</compile_context>

<pallas_src>
import functools

import jax
import jax.numpy as jnp
from jax import lax
from jax.experimental import pallas as pl
from jax.experimental.pallas import tpu as pltpu
from jax.experimental.pallas import tpu_sc as plsc

COMMIT_COST = 0.25



def _sc_gather(emb, idx_flat):
    k_emb, d = emb.shape
    n_tok = idx_flat.shape[0]
    nw = 32
    bpw = n_tok // nw
    chunk = 128
    nchunk = bpw // chunk

    idx2 = idx_flat.reshape(n_tok // chunk, chunk)

    mesh = plsc.VectorSubcoreMesh(core_axis_name="c", subcore_axis_name="s")

    @functools.partial(
        pl.kernel,
        mesh=mesh,
        out_type=jax.ShapeDtypeStruct((n_tok, d), jnp.float32),
        scratch_types=[
            pltpu.VMEM((nchunk, chunk), jnp.int32),
            pltpu.VMEM((chunk, d), jnp.float32),
            pltpu.SemaphoreType.DMA,
        ],
    )
    def sc_kernel(emb_hbm, idx_hbm, out_hbm, idx_v, rows_v, sem):
        c = lax.axis_index("c")
        s = lax.axis_index("s")
        wid = s * 2 + c
        base_row = wid * nchunk

        pltpu.sync_copy(idx_hbm.at[pl.ds(base_row, nchunk)], idx_v)
        for ci in range(nchunk):
            idx_row = idx_v.at[ci]
            pltpu.async_copy(emb_hbm.at[idx_row], rows_v, sem).wait()
            pltpu.sync_copy(
                rows_v, out_hbm.at[pl.ds(wid * bpw + ci * chunk, chunk)])

    return sc_kernel(emb, idx2)



def _perplexity(idx_flat, k, t_blk, k_blk):
    n_tok = idx_flat.shape[0]
    gi, gj = n_tok // t_blk, k // k_blk

    def body(idx_ref, perp_ref, cnt_ref):
        i = pl.program_id(0)
        j = pl.program_id(1)

        @pl.when(i == 0)
        def _():
            cnt_ref[j] = jnp.zeros((k_blk,), jnp.float32)

        idxv = idx_ref[...]
        bins = jax.lax.broadcasted_iota(jnp.int32, (t_blk, k_blk), 1) + j * k_blk
        hit = (idxv[:, None] == bins).astype(jnp.float32)
        cnt_ref[j] = cnt_ref[j] + jnp.sum(hit, axis=0)

        @pl.when((i == gi - 1) & (j == gj - 1))
        def _():
            p = cnt_ref[...] * (1.0 / n_tok)
            ent = jnp.sum(p * jnp.log(p + 1e-10))
            perp_ref[0, 0] = jnp.exp(-ent)

    return pl.pallas_call(
        body,
        grid=(gi, gj),
        in_specs=[pl.BlockSpec((t_blk,), lambda i, j: (i,))],
        out_specs=pl.BlockSpec((1, 1), lambda i, j: (0, 0),
                               memory_space=pltpu.SMEM),
        out_shape=jax.ShapeDtypeStruct((1, 1), jnp.float32),
        scratch_shapes=[pltpu.VMEM((gj, k_blk), jnp.float32)],
        compiler_params=pltpu.CompilerParams(
            dimension_semantics=("arbitrary", "arbitrary"),
        ),
    )(idx_flat)


def _entropy_from_counts(counts, n_tok):

    def body(c_ref, perp_ref):
        p = c_ref[...] * (1.0 / n_tok)
        ent = jnp.sum(p * jnp.log(p + 1e-10))
        perp_ref[0, 0] = jnp.exp(-ent)

    return pl.pallas_call(
        body,
        out_specs=pl.BlockSpec(memory_space=pltpu.SMEM),
        out_shape=jax.ShapeDtypeStruct((1, 1), jnp.float32),
    )(counts)



def kernel(inputs, embedding):
    b, d, t = inputs.shape
    k = embedding.shape[0]

    flat_input = jnp.transpose(inputs, (0, 2, 1)).reshape(-1, d)
    distances = (
        jnp.sum(flat_input ** 2, axis=1, keepdims=True)
        + jnp.sum(embedding ** 2, axis=1)
        - 2.0 * jnp.matmul(flat_input, embedding.T)
    )
    encoding_indices = jnp.argmin(distances, axis=1)
    encodings = jax.nn.one_hot(encoding_indices, k, dtype=jnp.float32)
    quantized = jnp.matmul(encodings, embedding).reshape(b, t, d)
    quantized = jnp.transpose(quantized, (0, 2, 1))
    e_latent_loss = jnp.mean((jax.lax.stop_gradient(quantized) - inputs) ** 2)
    loss = COMMIT_COST * e_latent_loss

    idx_b, emb_b, inputs_b, loss_b = jax.lax.optimization_barrier(
        (encoding_indices, embedding, inputs, loss))

    qflat_sc = _sc_gather(emb_b, idx_b.astype(jnp.int32))
    q_sc = jnp.transpose(qflat_sc.reshape(b, t, d), (0, 2, 1))
    quantized_st = inputs_b + jax.lax.stop_gradient(q_sc - inputs_b)

    counts = jnp.zeros((k,), jnp.float32).at[idx_b].add(1.0)
    perplexity = _entropy_from_counts(counts, b * t)[0, 0]

    return (loss_b, quantized_st, perplexity, encoding_indices.reshape(b, t))

# --- scband reference (transcript-rebuilt; emitter-appended) ---
"""Pipeline reference for scband-vector-quantizer-ema-18004502905465 (READ-ONLY COPY).

The authoritative reference and input builder live on the scoring server;
editing this copy changes nothing except your own understanding.
"""

import jax, jax.numpy as jnp
import numpy as np

NUM_EMBEDDINGS = 8192
EMBEDDING_DIM = 256
COMMITMENT_COST = 0.25


def setup_inputs(seed: int = 0) -> dict:
    key = jax.random.key(seed)
    k1, k2 = jax.random.split(key)
    inputs = jax.random.normal(k1, (16, 256, 1024), dtype=jnp.float32)
    embedding = jax.random.normal(k2, (NUM_EMBEDDINGS, EMBEDDING_DIM), dtype=jnp.float32)
    return {"inputs": inputs, "embedding": embedding}


def reference(inputs, embedding):
    # inputs: [B, D, T]; embedding: [K, D]
    B, D, T = inputs.shape
    K = embedding.shape[0]
    flat_input = jnp.transpose(inputs, (0, 2, 1)).reshape(-1, D)  # [B*T, D]
    distances = (
        jnp.sum(flat_input ** 2, axis=1, keepdims=True)
        + jnp.sum(embedding ** 2, axis=1)
        - 2.0 * jnp.matmul(flat_input, embedding.T)
    )  # [B*T, K]
    encoding_indices = jnp.argmin(distances, axis=1)  # [B*T]
    encodings = jax.nn.one_hot(encoding_indices, K, dtype=jnp.float32)  # [B*T, K]
    quantized = jnp.matmul(encodings, embedding).reshape(B, T, D)
    quantized = jnp.transpose(quantized, (0, 2, 1))  # [B, D, T]
    e_latent_loss = jnp.mean((jax.lax.stop_gradient(quantized) - inputs) ** 2)
    loss = COMMITMENT_COST * e_latent_loss
    quantized_st = inputs + jax.lax.stop_gradient(quantized - inputs)
    avg_probs = jnp.mean(encodings, axis=0)
    perplexity = jnp.exp(-jnp.sum(avg_probs * jnp.log(avg_probs + 1e-10)))
    return (loss, quantized_st, perplexity, encoding_indices.reshape(B, T))

if __name__ == "__main__":
    import jax
    _d = setup_inputs()
    print(jax.jit(kernel)(*tuple(_d.values())))

</pallas_src>

<mosaic_0001>
#map = affine_map<(d0, d1) -> (0, 0)>
module attributes {stable_mosaic.version = 14 : i64} {
  func.func @sc_kernel(%arg0: i32, %arg1: i32, %arg2: memref<8192x256xf32, #tpu.memory_space<hbm>>, %arg3: memref<128x128xi32, #tpu.memory_space<hbm>>, %arg4: memref<16384x256xf32, #tpu.memory_space<hbm>>, %arg5: memref<4x128xi32, #tpu.memory_space<vmem>>, %arg6: memref<128x256xf32, #tpu.memory_space<vmem>>, %arg7: memref<!tpu.dma_semaphore, #tpu.memory_space<semaphore_mem>>) attributes {dimension_semantics = [#tpu.dimension_semantics<core_parallel>, #tpu.dimension_semantics<subcore_parallel>], iteration_bounds = array<i64: 2, 16>, scalar_prefetch = 0 : i64, scratch_operands = 3 : i64, tpu.core_type = #tpu.core_type<sc_vector_subcore>, window_params = [{transform_indices = #map}, {transform_indices = #map}, {transform_indices = #map}]} {
    %mul3A = arith.constant 2 : i32
    %mul3A_0 = arith.muli %arg1, %mul3A : i32
    %add3A = arith.addi %mul3A_0, %arg0 : i32
    %mul3A_1 = arith.constant 4 : i32
    %mul3A_2 = arith.muli %add3A, %mul3A_1 : i32
    "tpu.region"() ({
      %run_scoped3A = tpu.sem_alloc : memref<!tpu.dma_semaphore, #tpu.memory_space<semaphore_mem>>
      %dma_start3A_73 = arith.constant 0 : i32
      %dma_start3A_74 = tpu.memref_slice %arg3[%mul3A_2, %dma_start3A_73] : memref<128x128xi32, #tpu.memory_space<hbm>> -> memref<4x128xi32, #tpu.memory_space<hbm>>
      %dma_start3A_75 = arith.constant 0 : i32
      %dma_start3A_76 = tpu.memref_slice %arg3[%mul3A_2, %dma_start3A_75] : memref<128x128xi32, #tpu.memory_space<hbm>> -> memref<4x128xi32, #tpu.memory_space<hbm>>
      tpu.enqueue_dma source(%dma_start3A_76 : memref<4x128xi32, #tpu.memory_space<hbm>>) target(%arg5 : memref<4x128xi32, #tpu.memory_space<vmem>>) target_semaphore(%run_scoped3A : memref<!tpu.dma_semaphore, #tpu.memory_space<semaphore_mem>>)
      %dma_wait3A_77 = arith.constant 0 : i32
      %dma_wait3A_78 = tpu.memref_slice %arg3[%mul3A_2, %dma_wait3A_77] : memref<128x128xi32, #tpu.memory_space<hbm>> -> memref<4x128xi32, #tpu.memory_space<hbm>>
      %dma_wait3A_79 = arith.constant 0 : i32
      %dma_wait3A_80 = tpu.memref_slice %arg3[%mul3A_2, %dma_wait3A_79] : memref<128x128xi32, #tpu.memory_space<hbm>> -> memref<4x128xi32, #tpu.memory_space<hbm>>
      tpu.wait_dma2 semaphore(%run_scoped3A : memref<!tpu.dma_semaphore, #tpu.memory_space<semaphore_mem>>) src(%dma_wait3A_80 : memref<4x128xi32, #tpu.memory_space<hbm>>) dst(%arg5 : memref<4x128xi32, #tpu.memory_space<vmem>>)
      tpu.yield
    }) : () -> ()
    %dma_start3A = arith.constant 0 : i32
    %dma_start3A_3 = arith.constant 0 : i32
    %dma_start3A_4 = tpu.memref_slice %arg5[%dma_start3A, %dma_start3A_3] : memref<4x128xi32, #tpu.memory_space<vmem>> -> memref<1x128xi32, #tpu.memory_space<vmem>>
    %dma_start3A_5 = tpu.memref_squeeze %dma_start3A_4 : memref<1x128xi32, #tpu.memory_space<vmem>> -> memref<128xi32, #tpu.memory_space<vmem>>
    %dma_start3A_6 = arith.constant 0 : i32
    %dma_start3A_7 = arith.constant 0 : i32
    %dma_start3A_8 = tpu.memref_slice %arg2[%dma_start3A_6, %dma_start3A_7] : memref<8192x256xf32, #tpu.memory_space<hbm>> -> memref<8192x256xf32, #tpu.memory_space<hbm>>
    tpu.enqueue_indirect_dma source(%dma_start3A_8 : memref<8192x256xf32, #tpu.memory_space<hbm>>) target(%arg6 : memref<128x256xf32, #tpu.memory_space<vmem>>) offsets(%dma_start3A_5 : memref<128xi32, #tpu.memory_space<vmem>>) semaphore(%arg7 : memref<!tpu.dma_semaphore, #tpu.memory_space<semaphore_mem>>)
    %dma_wait3A = arith.constant 0 : i32
    %dma_wait3A_9 = arith.constant 0 : i32
    %dma_wait3A_10 = tpu.memref_slice %arg5[%dma_wait3A, %dma_wait3A_9] : memref<4x128xi32, #tpu.memory_space<vmem>> -> memref<1x128xi32, #tpu.memory_space<vmem>>
    %dma_wait3A_11 = tpu.memref_squeeze %dma_wait3A_10 : memref<1x128xi32, #tpu.memory_space<vmem>> -> memref<128xi32, #tpu.memory_space<vmem>>
    %dma_wait3A_12 = arith.constant 0 : i32
    %dma_wait3A_13 = arith.constant 0 : i32
    %dma_wait3A_14 = tpu.memref_slice %arg2[%dma_wait3A_12, %dma_wait3A_13] : memref<8192x256xf32, #tpu.memory_space<hbm>> -> memref<8192x256xf32, #tpu.memory_space<hbm>>
    tpu.wait_indirect_dma semaphore(%arg7 : memref<!tpu.dma_semaphore, #tpu.memory_space<semaphore_mem>>) src(%dma_wait3A_14 : memref<8192x256xf32, #tpu.memory_space<hbm>>) dst(%arg6 : memref<128x256xf32, #tpu.memory_space<vmem>>)
    %mul3A_15 = arith.constant 512 : i32
    %mul3A_16 = arith.muli %add3A, %mul3A_15 : i32
    %add3A_17 = arith.constant 0 : i32
    %add3A_18 = arith.addi %mul3A_16, %add3A_17 : i32
    "tpu.region"() ({
      %run_scoped3A = tpu.sem_alloc : memref<!tpu.dma_semaphore, #tpu.memory_space<semaphore_mem>>
      %dma_start3A_73 = arith.constant 0 : i32
      %dma_start3A_74 = tpu.memref_slice %arg4[%add3A_18, %dma_start3A_73] : memref<16384x256xf32, #tpu.memory_space<hbm>> -> memref<128x256xf32, #tpu.memory_space<hbm>>
      %dma_start3A_75 = arith.constant 0 : i32
      %dma_start3A_76 = tpu.memref_slice %arg4[%add3A_18, %dma_start3A_75] : memref<16384x256xf32, #tpu.memory_space<hbm>> -> memref<128x256xf32, #tpu.memory_space<hbm>>
      tpu.enqueue_dma source(%arg6 : memref<128x256xf32, #tpu.memory_space<vmem>>) target(%dma_start3A_76 : memref<128x256xf32, #tpu.memory_space<hbm>>) target_semaphore(%run_scoped3A : memref<!tpu.dma_semaphore, #tpu.memory_space<semaphore_mem>>)
      %dma_wait3A_77 = arith.constant 0 : i32
      %dma_wait3A_78 = tpu.memref_slice %arg4[%add3A_18, %dma_wait3A_77] : memref<16384x256xf32, #tpu.memory_space<hbm>> -> memref<128x256xf32, #tpu.memory_space<hbm>>
      %dma_wait3A_79 = arith.constant 0 : i32
      %dma_wait3A_80 = tpu.memref_slice %arg4[%add3A_18, %dma_wait3A_79] : memref<16384x256xf32, #tpu.memory_space<hbm>> -> memref<128x256xf32, #tpu.memory_space<hbm>>
      tpu.wait_dma2 semaphore(%run_scoped3A : memref<!tpu.dma_semaphore, #tpu.memory_space<semaphore_mem>>) src(%arg6 : memref<128x256xf32, #tpu.memory_space<vmem>>) dst(%dma_wait3A_80 : memref<128x256xf32, #tpu.memory_space<hbm>>)
      tpu.yield
    }) : () -> ()
    %dma_start3A_19 = arith.constant 1 : i32
    %dma_start3A_20 = arith.constant 0 : i32
    %dma_start3A_21 = tpu.memref_slice %arg5[%dma_start3A_19, %dma_start3A_20] : memref<4x128xi32, #tpu.memory_space<vmem>> -> memref<1x128xi32, #tpu.memory_space<vmem>>
    %dma_start3A_22 = tpu.memref_squeeze %dma_start3A_21 : memref<1x128xi32, #tpu.memory_space<vmem>> -> memref<128xi32, #tpu.memory_space<vmem>>
    %dma_start3A_23 = arith.constant 0 : i32
    %dma_start3A_24 = arith.constant 0 : i32
    %dma_start3A_25 = tpu.memref_slice %arg2[%dma_start3A_23, %dma_start3A_24] : memref<8192x256xf32, #tpu.memory_space<hbm>> -> memref<8192x256xf32, #tpu.memory_space<hbm>>
    tpu.enqueue_indirect_dma source(%dma_start3A_25 : memref<8192x256xf32, #tpu.memory_space<hbm>>) target(%arg6 : memref<128x256xf32, #tpu.memory_space<vmem>>) offsets(%dma_start3A_22 : memref<128xi32, #tpu.memory_space<vmem>>) semaphore(%arg7 : memref<!tpu.dma_semaphore, #tpu.memory_space<semaphore_mem>>)
    %dma_wait3A_26 = arith.constant 1 : i32
    %dma_wait3A_27 = arith.constant 0 : i32
    %dma_wait3A_28 = tpu.memref_slice %arg5[%dma_wait3A_26, %dma_wait3A_27] : memref<4x128xi32, #tpu.memory_space<vmem>> -> memref<1x128xi32, #tpu.memory_space<vmem>>
    %dma_wait3A_29 = tpu.memref_squeeze %dma_wait3A_28 : memref<1x128xi32, #tpu.memory_space<vmem>> -> memref<128xi32, #tpu.memory_space<vmem>>
    %dma_wait3A_30 = arith.constant 0 : i32
    %dma_wait3A_31 = arith.constant 0 : i32
    %dma_wait3A_32 = tpu.memref_slice %arg2[%dma_wait3A_30, %dma_wait3A_31] : memref<8192x256xf32, #tpu.memory_space<hbm>> -> memref<8192x256xf32, #tpu.memory_space<hbm>>
    tpu.wait_indirect_dma semaphore(%arg7 : memref<!tpu.dma_semaphore, #tpu.memory_space<semaphore_mem>>) src(%dma_wait3A_32 : memref<8192x256xf32, #tpu.memory_space<hbm>>) dst(%arg6 : memref<128x256xf32, #tpu.memory_space<vmem>>)
    %mul3A_33 = arith.constant 512 : i32
    %mul3A_34 = arith.muli %add3A, %mul3A_33 : i32
    %add3A_35 = arith.constant 128 : i32
    %add3A_36 = arith.addi %mul3A_34, %add3A_35 : i32
    "tpu.region"() ({
      %run_scoped3A = tpu.sem_alloc : memref<!tpu.dma_semaphore, #tpu.memory_space<semaphore_mem>>
      %dma_start3A_73 = arith.constant 0 : i32
      %dma_start3A_74 = tpu.memref_slice %arg4[%add3A_36, %dma_start3A_73] : memref<16384x256xf32, #tpu.memory_space<hbm>> -> memref<128x256xf32, #tpu.memory_space<hbm>>
      %dma_start3A_75 = arith.constant 0 : i32
      %dma_start3A_76 = tpu.memref_slice %arg4[%add3A_36, %dma_start3A_75] : memref<16384x256xf32, #tpu.memory_space<hbm>> -> memref<128x256xf32, #tpu.memory_space<hbm>>
      tpu.enqueue_dma source(%arg6 : memref<128x256xf32, #tpu.memory_space<vmem>>) target(%dma_start3A_76 : memref<128x256xf32, #tpu.memory_space<hbm>>) target_semaphore(%run_scoped3A : memref<!tpu.dma_semaphore, #tpu.memory_space<semaphore_mem>>)
      %dma_wait3A_77 = arith.constant 0 : i32
      %dma_wait3A_78 = tpu.memref_slice %arg4[%add3A_36, %dma_wait3A_77] : memref<16384x256xf32, #tpu.memory_space<hbm>> -> memref<128x256xf32, #tpu.memory_space<hbm>>
      %dma_wait3A_79 = arith.constant 0 : i32
      %dma_wait3A_80 = tpu.memref_slice %arg4[%add3A_36, %dma_wait3A_79] : memref<16384x256xf32, #tpu.memory_space<hbm>> -> memref<128x256xf32, #tpu.memory_space<hbm>>
      tpu.wait_dma2 semaphore(%run_scoped3A : memref<!tpu.dma_semaphore, #tpu.memory_space<semaphore_mem>>) src(%arg6 : memref<128x256xf32, #tpu.memory_space<vmem>>) dst(%dma_wait3A_80 : memref<128x256xf32, #tpu.memory_space<hbm>>)
      tpu.yield
    }) : () -> ()
    %dma_start3A_37 = arith.constant 2 : i32
    %dma_start3A_38 = arith.constant 0 : i32
    %dma_start3A_39 = tpu.memref_slice %arg5[%dma_start3A_37, %dma_start3A_38] : memref<4x128xi32, #tpu.memory_space<vmem>> -> memref<1x128xi32, #tpu.memory_space<vmem>>
    %dma_start3A_40 = tpu.memref_squeeze %dma_start3A_39 : memref<1x128xi32, #tpu.memory_space<vmem>> -> memref<128xi32, #tpu.memory_space<vmem>>
    %dma_start3A_41 = arith.constant 0 : i32
    %dma_start3A_42 = arith.constant 0 : i32
    %dma_start3A_43 = tpu.memref_slice %arg2[%dma_start3A_41, %dma_start3A_42] : memref<8192x256xf32, #tpu.memory_space<hbm>> -> memref<8192x256xf32, #tpu.memory_space<hbm>>
    tpu.enqueue_indirect_dma source(%dma_start3A_43 : memref<8192x256xf32, #tpu.memory_space<hbm>>) target(%arg6 : memref<128x256xf32, #tpu.memory_space<vmem>>) offsets(%dma_start3A_40 : memref<128xi32, #tpu.memory_space<vmem>>) semaphore(%arg7 : memref<!tpu.dma_semaphore, #tpu.memory_space<semaphore_mem>>)
    %dma_wait3A_44 = arith.constant 2 : i32
    %dma_wait3A_45 = arith.constant 0 : i32
    %dma_wait3A_46 = tpu.memref_slice %arg5[%dma_wait3A_44, %dma_wait3A_45] : memref<4x128xi32, #tpu.memory_space<vmem>> -> memref<1x128xi32, #tpu.memory_space<vmem>>
    %dma_wait3A_47 = tpu.memref_squeeze %dma_wait3A_46 : memref<1x128xi32, #tpu.memory_space<vmem>> -> memref<128xi32, #tpu.memory_space<vmem>>
    %dma_wait3A_48 = arith.constant 0 : i32
    %dma_wait3A_49 = arith.constant 0 : i32
    %dma_wait3A_50 = tpu.memref_slice %arg2[%dma_wait3A_48, %dma_wait3A_49] : memref<8192x256xf32, #tpu.memory_space<hbm>> -> memref<8192x256xf32, #tpu.memory_space<hbm>>
    tpu.wait_indirect_dma semaphore(%arg7 : memref<!tpu.dma_semaphore, #tpu.memory_space<semaphore_mem>>) src(%dma_wait3A_50 : memref<8192x256xf32, #tpu.memory_space<hbm>>) dst(%arg6 : memref<128x256xf32, #tpu.memory_space<vmem>>)
    %mul3A_51 = arith.constant 512 : i32
    %mul3A_52 = arith.muli %add3A, %mul3A_51 : i32
    %add3A_53 = arith.constant 256 : i32
    %add3A_54 = arith.addi %mul3A_52, %add3A_53 : i32
    "tpu.region"() ({
      %run_scoped3A = tpu.sem_alloc : memref<!tpu.dma_semaphore, #tpu.memory_space<semaphore_mem>>
      %dma_start3A_73 = arith.constant 0 : i32
      %dma_start3A_74 = tpu.memref_slice %arg4[%add3A_54, %dma_start3A_73] : memref<16384x256xf32, #tpu.memory_space<hbm>> -> memref<128x256xf32, #tpu.memory_space<hbm>>
      %dma_start3A_75 = arith.constant 0 : i32
      %dma_start3A_76 = tpu.memref_slice %arg4[%add3A_54, %dma_start3A_75] : memref<16384x256xf32, #tpu.memory_space<hbm>> -> memref<128x256xf32, #tpu.memory_space<hbm>>
      tpu.enqueue_dma source(%arg6 : memref<128x256xf32, #tpu.memory_space<vmem>>) target(%dma_start3A_76 : memref<128x256xf32, #tpu.memory_space<hbm>>) target_semaphore(%run_scoped3A : memref<!tpu.dma_semaphore, #tpu.memory_space<semaphore_mem>>)
      %dma_wait3A_77 = arith.constant 0 : i32
      %dma_wait3A_78 = tpu.memref_slice %arg4[%add3A_54, %dma_wait3A_77] : memref<16384x256xf32, #tpu.memory_space<hbm>> -> memref<128x256xf32, #tpu.memory_space<hbm>>
      %dma_wait3A_79 = arith.constant 0 : i32
      %dma_wait3A_80 = tpu.memref_slice %arg4[%add3A_54, %dma_wait3A_79] : memref<16384x256xf32, #tpu.memory_space<hbm>> -> memref<128x256xf32, #tpu.memory_space<hbm>>
      tpu.wait_dma2 semaphore(%run_scoped3A : memref<!tpu.dma_semaphore, #tpu.memory_space<semaphore_mem>>) src(%arg6 : memref<128x256xf32, #tpu.memory_space<vmem>>) dst(%dma_wait3A_80 : memref<128x256xf32, #tpu.memory_space<hbm>>)
      tpu.yield
    }) : () -> ()
    %dma_start3A_55 = arith.constant 3 : i32
    %dma_start3A_56 = arith.constant 0 : i32
    %dma_start3A_57 = tpu.memref_slice %arg5[%dma_start3A_55, %dma_start3A_56] : memref<4x128xi32, #tpu.memory_space<vmem>> -> memref<1x128xi32, #tpu.memory_space<vmem>>
    %dma_start3A_58 = tpu.memref_squeeze %dma_start3A_57 : memref<1x128xi32, #tpu.memory_space<vmem>> -> memref<128xi32, #tpu.memory_space<vmem>>
    %dma_start3A_59 = arith.constant 0 : i32
    %dma_start3A_60 = arith.constant 0 : i32
    %dma_start3A_61 = tpu.memref_slice %arg2[%dma_start3A_59, %dma_start3A_60] : memref<8192x256xf32, #tpu.memory_space<hbm>> -> memref<8192x256xf32, #tpu.memory_space<hbm>>
    tpu.enqueue_indirect_dma source(%dma_start3A_61 : memref<8192x256xf32, #tpu.memory_space<hbm>>) target(%arg6 : memref<128x256xf32, #tpu.memory_space<vmem>>) offsets(%dma_start3A_58 : memref<128xi32, #tpu.memory_space<vmem>>) semaphore(%arg7 : memref<!tpu.dma_semaphore, #tpu.memory_space<semaphore_mem>>)
    %dma_wait3A_62 = arith.constant 3 : i32
    %dma_wait3A_63 = arith.constant 0 : i32
    %dma_wait3A_64 = tpu.memref_slice %arg5[%dma_wait3A_62, %dma_wait3A_63] : memref<4x128xi32, #tpu.memory_space<vmem>> -> memref<1x128xi32, #tpu.memory_space<vmem>>
    %dma_wait3A_65 = tpu.memref_squeeze %dma_wait3A_64 : memref<1x128xi32, #tpu.memory_space<vmem>> -> memref<128xi32, #tpu.memory_space<vmem>>
    %dma_wait3A_66 = arith.constant 0 : i32
    %dma_wait3A_67 = arith.constant 0 : i32
    %dma_wait3A_68 = tpu.memref_slice %arg2[%dma_wait3A_66, %dma_wait3A_67] : memref<8192x256xf32, #tpu.memory_space<hbm>> -> memref<8192x256xf32, #tpu.memory_space<hbm>>
    tpu.wait_indirect_dma semaphore(%arg7 : memref<!tpu.dma_semaphore, #tpu.memory_space<semaphore_mem>>) src(%dma_wait3A_68 : memref<8192x256xf32, #tpu.memory_space<hbm>>) dst(%arg6 : memref<128x256xf32, #tpu.memory_space<vmem>>)
    %mul3A_69 = arith.constant 512 : i32
    %mul3A_70 = arith.muli %add3A, %mul3A_69 : i32
    %add3A_71 = arith.constant 384 : i32
    %add3A_72 = arith.addi %mul3A_70, %add3A_71 : i32
    "tpu.region"() ({
      %run_scoped3A = tpu.sem_alloc : memref<!tpu.dma_semaphore, #tpu.memory_space<semaphore_mem>>
      %dma_start3A_73 = arith.constant 0 : i32
      %dma_start3A_74 = tpu.memref_slice %arg4[%add3A_72, %dma_start3A_73] : memref<16384x256xf32, #tpu.memory_space<hbm>> -> memref<128x256xf32, #tpu.memory_space<hbm>>
      %dma_start3A_75 = arith.constant 0 : i32
      %dma_start3A_76 = tpu.memref_slice %arg4[%add3A_72, %dma_start3A_75] : memref<16384x256xf32, #tpu.memory_space<hbm>> -> memref<128x256xf32, #tpu.memory_space<hbm>>
      tpu.enqueue_dma source(%arg6 : memref<128x256xf32, #tpu.memory_space<vmem>>) target(%dma_start3A_76 : memref<128x256xf32, #tpu.memory_space<hbm>>) target_semaphore(%run_scoped3A : memref<!tpu.dma_semaphore, #tpu.memory_space<semaphore_mem>>)
      %dma_wait3A_77 = arith.constant 0 : i32
      %dma_wait3A_78 = tpu.memref_slice %arg4[%add3A_72, %dma_wait3A_77] : memref<16384x256xf32, #tpu.memory_space<hbm>> -> memref<128x256xf32, #tpu.memory_space<hbm>>
      %dma_wait3A_79 = arith.constant 0 : i32
      %dma_wait3A_80 = tpu.memref_slice %arg4[%add3A_72, %dma_wait3A_79] : memref<16384x256xf32, #tpu.memory_space<hbm>> -> memref<128x256xf32, #tpu.memory_space<hbm>>
      tpu.wait_dma2 semaphore(%run_scoped3A : memref<!tpu.dma_semaphore, #tpu.memory_space<semaphore_mem>>) src(%arg6 : memref<128x256xf32, #tpu.memory_space<vmem>>) dst(%dma_wait3A_80 : memref<128x256xf32, #tpu.memory_space<hbm>>)
      tpu.yield
    }) : () -> ()
    return
  }
}

module attributes {stable_mosaic.version = 14 : i64} {
  func.func @body(%arg0: memref<8192xf32, #tpu.memory_space<vmem>>, %arg1: memref<1x1xf32, #tpu.memory_space<smem>>) attributes {dimension_semantics = [], scalar_prefetch = 0 : i64, scratch_operands = 0 : i64, tpu.core_type = #tpu.core_type<tc>} {
    %get3A = arith.constant 0 : index
    %get3A_0 = vector.load %arg0[%get3A] : memref<8192xf32, #tpu.memory_space<vmem>>, vector<8192xf32>
    %mul3A = arith.constant 6.10351563E-5 : f32
    %mul3A_1 = vector.broadcast %mul3A : f32 to vector<8192xf32>
    %mul3A_2 = arith.mulf %get3A_0, %mul3A_1 : vector<8192xf32>
    %add3A = arith.constant 1.000000e-10 : f32
    %add3A_3 = vector.broadcast %add3A : f32 to vector<8192xf32>
    %add3A_4 = arith.addf %mul3A_2, %add3A_3 : vector<8192xf32>
    %log3A = math.log %add3A_4 : vector<8192xf32>
    %mul3A_5 = arith.mulf %mul3A_2, %log3A : vector<8192xf32>
    %reduce_sum3A = vector.shape_cast %mul3A_5 : vector<8192xf32> to vector<1x8192xf32>
    %reduce_sum3A_6 = arith.constant dense<0.000000e+00> : vector<1xf32>
    %reduce_sum3A_7 = vector.multi_reduction <add>, %reduce_sum3A, %reduce_sum3A_6 [1] : vector<1x8192xf32> to vector<1xf32>
    %reduce_sum3A_8 = vector.shape_cast %reduce_sum3A_7 : vector<1xf32> to vector<1x1xf32>
    %reduce_sum3A_9 = vector.extract %reduce_sum3A_8[0, 0] : f32 from vector<1x1xf32>
    %neg3A = arith.constant 0.000000e+00 : f32
    %neg3A_10 = arith.subf %neg3A, %reduce_sum3A_9 : f32
    %exp3A = math.exp %neg3A_10 : f32
    %swap3A = arith.constant 0 : index
    %swap3A_11 = arith.constant 0 : index
    %swap3A_12 = memref.load %arg1[%swap3A, %swap3A_11] : memref<1x1xf32, #tpu.memory_space<smem>>
    memref.store %exp3A, %arg1[%swap3A, %swap3A_11] : memref<1x1xf32, #tpu.memory_space<smem>>
    return
  }
}

</mosaic_0001>

<sc_bundles>
// kernel: kernel.4.cloned.1.call-start
scs
__scs_entry_jumppad:
0x0: {  	(pc) =	sbr.rel $0x88, $3  }
0x1: {  	(tag) =	ssettag $0x0;
	lr =	simm.s32 $0x1  }
0x2: {  	[smem:$0x3F9F] =	sst lr;
	_ =	strace $0xD0000000  }
0x3: {  	_ = 	snop  }
0x4: {  	_ = 	snop  }
0x5: {  	_ = 	snop  }
0x6: {  	_ = 	snop  }
0x7: {  	_ = 	snop  }
__scs_overlays_trampoline_lowered:
0x8: {  	[smem:$0x3FAE] =	sst s0  }
0x9: {  	[smem:$0x3FAF] =	sst s1  }
0xa: {  	[smem:$0x3FB0] =	sst s2  }
0xb: {  	[smem:$0x3FB1] =	sst s3  }
0xc: {  	[smem:$0x3FB2] =	sst s4  }
0xd: {  	[smem:$0x3FB3] =	sst s5  }
0xe: {  	[smem:$0x3FB4] =	sst s6  }
0xf: {  	[smem:$0x3FB5] =	sst s7  }
0x10: {  	[smem:$0x3FB6] =	sst s8  }
0x11: {  	[smem:$0x3FB7] =	sst s9;
	s0 =	simm.s32 @!p0 $0x0  }
0x12: {  	s1 =	sld [smem:$0x3F9D];
	s0 =	simm.s32 @p0 $0x1  }
0x13: {  	[smem:$0x3FB8] =	sst s0;
	s0 =	simm.s32 @!p1 $0x0  }
0x14: {  	s2 =	sld [smem:$0x3F9C];
	s0 =	simm.s32 @p1 $0x1  }
0x15: {  	[smem:$0x3FB9] =	sst s0;
	s0 =	simm.s32 @!p2 $0x0  }
0x16: {  	s3 =	sld [smem:$0x3FDB];
	s0 =	simm.s32 @p2 $0x1  }
0x17: {  	s4 =	simm.s32 $0x1BF5;
	[smem:$0x3FBB] =	sst s0  }
0x18: {  	s0 =	sld [smem:$0x3F9E];
	_ =	swait.ge [sflag:s4], $0x0  }
0x19: {  	s7 =	sld [smem:$0x3F9F]  }
0x1a: {  	s8 =	sadd.s32 $0xFFFFE003, lr  }
0x1b: {  	s9 =	sadd.s32 $0xFFFFFEF7, lr;
	s5 =	simm.s32 $0xFFFFFFFF;
	p2 =	slt.u32 s8, $0xFFFFF086  }
0x1c: {  	p1 =	slt.u32 s9, $0xF7A;
	s5 =	simm.s32 @!p2 $0x0  }
0x1d: {  	s5 =	simm.s32 @p1 $0x1;
	p0 =	seq.s32 s7, s2  }
0x1e: {  	s7 =	smul.u32 @!p0 $0xF7A, s2;
	p2 =	seq.s32 @!p0 s5, $0x0  }
0x1f: {  	s9 =	smul.u32 $0xF7A, s1;
	s8 =	simm.s32 @!p0 $0x1BF5;
	p2 =	por !p2, p0  }
0x20: {  	[sflag:s8] =	ssyncset.s32 @!p0 $0xFFFFF086;
	s6 =	sadd.s32 @!p0 s3, s7;
	s7 =	simm.s32 @!p0 $0x108  }
0x21: {  	s3 =	sadd.s32 s3, s9;
	s6 =	sadd.s32 @!p0 $0x88, s6;
	s7 =	simm.s32 @p2 $0x1082  }
0x22: {  	[simem:s7], [sflag:s8] =	dma.local @!p0 [hbm:s6], $0xF7A  }
0x23: {  	s9 =	sor.u32 $0xD0000000, s2;
	s6 =	simm.s32 $0x108;
	_ =	swait.ge @!p0 [sflag:s8], $0x0  }
0x24: {  	s3 =	sadd.s32 $0x88, s3;
	s6 =	simm.s32 @!p1 $0x1082;
	[sflag:s4] =	ssyncset.s32 $0xFFFFF086  }
0x25: {  	[simem:s6], [sflag:s4] =	dma.local [hbm:s3], $0xF7A  }
0x26: {  	[smem:$0x3F9F] =	sst s1;
	(tag) =	ssettag s2;
	_ =	strace s9  }
0x27: {  	s1 =	sld [smem:$0x3FAF]  }
0x28: {  	s2 =	sld [smem:$0x3FB0]  }
0x29: {  	s4 =	sld [smem:$0x3FB2]  }
0x2a: {  	p0 =	seq.s32 s5, $0x0;
	s5 =	sld [smem:$0x3FB3]  }
0x2b: {  	s6 =	sld [smem:$0x3FB4]  }
0x2c: {  	s7 =	sld [smem:$0x3FB5]  }
0x2d: {  	s3 =	simm.s32 $0x108;
	s8 =	sld [smem:$0x3FB6]  }
0x2e: {  	s3 =	simm.s32 @!p0 $0x1082;
	s9 =	sld [smem:$0x3FB7]  }
0x2f: {  	lr =	sadd.s32 s0, s3;
	s0 =	sld [smem:$0x3FAE]  }
0x30: {  	s3 =	sld [smem:$0x3FB1]  }
0x31: {  	[smem:$0x3FBA] =	sst s10  }
0x32: {  	s10 =	sld [smem:$0x3FB8];
	_ =	sdelay $0x3  }
0x33: {  	p0 =	seq.s32 s10, $0x1;
	s10 =	sld [smem:$0x3FBA];
	_ =	sdelay $0x3  }
0x34: {  	[smem:$0x3FBA] =	sst s10  }
0x35: {  	s10 =	sld [smem:$0x3FB9];
	_ =	sdelay $0x3  }
0x36: {  	p1 =	seq.s32 s10, $0x1;
	s10 =	sld [smem:$0x3FBA];
	_ =	sdelay $0x3  }
0x37: {  	[smem:$0x3FBA] =	sst s10  }
0x38: {  	s10 =	sld [smem:$0x3FBB]  }
0x39: {  	_ = 	snop;
	(pc) =	sbr.ind lr, $3  }
0x3a: {  	_ = 	snop  }
0x3b: {  	_ = 	snop  }
0x3c: {  	p2 =	seq.s32 s10, $0x1;
	s10 =	sld [smem:$0x3FBA]  }
0x3d: {  	_ =	shalt  }
0x3e: {  	_ =	shalt  }
0x3f: {  	_ =	shalt  }
0x40: {  	_ =	shalt  }
0x41: {  	_ =	shalt  }
0x42: {  	_ =	shalt  }
0x43: {  	_ =	shalt  }
0x44: {  	_ =	shalt  }
0x45: {  	_ =	shalt  }
0x46: {  	_ =	shalt  }
0x47: {  	_ =	shalt  }
0x48: {  	_ =	shalt  }
0x49: {  	_ =	shalt  }
0x4a: {  	_ =	shalt  }
0x4b: {  	_ =	shalt  }
0x4c: {  	_ =	shalt  }
0x4d: {  	_ =	shalt  }
0x4e: {  	_ =	shalt  }
0x4f: {  	_ =	shalt  }
0x50: {  	_ =	shalt  }
0x51: {  	_ =	shalt  }
0x52: {  	_ =	shalt  }
0x53: {  	_ =	shalt  }
0x54: {  	_ =	shalt  }
0x55: {  	_ =	shalt  }
0x56: {  	_ =	shalt  }
0x57: {  	_ =	shalt  }
0x58: {  	_ =	shalt  }
0x59: {  	_ =	shalt  }
0x5a: {  	_ =	shalt  }
0x5b: {  	_ =	shalt  }
0x5c: {  	_ =	shalt  }
0x5d: {  	_ =	shalt  }
0x5e: {  	_ =	shalt  }
0x5f: {  	_ =	shalt  }
0x60: {  	_ =	shalt  }
0x61: {  	_ =	shalt  }
0x62: {  	_ =	shalt  }
0x63: {  	_ =	shalt  }
0x64: {  	_ =	shalt  }
0x65: {  	_ =	shalt  }
0x66: {  	_ =	shalt  }
0x67: {  	_ =	shalt  }
0x68: {  	_ =	shalt  }
0x69: {  	_ =	shalt  }
0x6a: {  	_ =	shalt  }
0x6b: {  	_ =	shalt  }
0x6c: {  	_ =	shalt  }
0x6d: {  	_ =	shalt  }
0x6e: {  	_ =	shalt  }
0x6f: {  	_ =	shalt  }
0x70: {  	_ =	shalt  }
0x71: {  	_ =	shalt  }
0x72: {  	_ =	shalt  }
0x73: {  	_ =	shalt  }
0x74: {  	_ =	shalt  }
0x75: {  	_ =	shalt  }
0x76: {  	_ =	shalt  }
0x77: {  	_ =	shalt  }
0x78: {  	_ =	shalt  }
0x79: {  	_ =	shalt  }
0x7a: {  	_ =	shalt  }
0x7b: {  	_ =	shalt  }
0x7c: {  	_ =	shalt  }
0x7d: {  	_ =	shalt  }
0x7e: {  	_ =	shalt  }
0x7f: {  	_ =	shalt  }
0x80: {  	_ =	shalt  }
0x81: {  	_ =	shalt  }
0x82: {  	_ =	shalt  }
0x83: {  	_ =	shalt  }
0x84: {  	_ =	shalt  }
0x85: {  	_ =	shalt  }
0x86: {  	_ =	shalt  }
0x87: {  	_ =	shalt  }
.Lfunc_end0:
.L_simem_size_0:
called_computation.1_lowered:
.L_overlay_start_0:
0x88: {  	s2 =	sld [smem:$0x3FD9]  }
0x89: {  	s3 =	sld [smem:$0x3FFE];
	_ =	sdelay $0x1  }
0x8a: {  	s1 =	srdreg.scid  }
0x8b: {  	s0 =	sand.u32 $0x1, s1  }
0x8c: {  	s17 =	sshll.u32 s0, $0xA;
	s2 =	sadd.s32 s3, s2  }
0x8d: {  	s2 =	sadd.s32 s2, s17  }
0x8e: {  	[smem:$0x3FC6] =	sst s2  }
0x8f: {  	_ = 	snop  }
0x90: {  	s18 =	sld [smem:$0x3FC8];
	(tm) =	ssettm $0x1  }
0x91: {  	s19 =	sld [smem:$0x3FFB];
	_ =	sdelay $0x3  }
0x92: {  	_ =	strace s19  }
0x93: {  	s2 =	sld [smem:$0x3FFC];
	_ =	sdelay $0x3  }
0x94: {  	_ =	strace s2  }
0x95: {  	s2 =	sld [smem:$0x3FFD];
	_ =	sdelay $0x3  }
0x96: {  	_ =	strace s2  }
0x97: {  	_ =	strace $0x8FFFFFFF  }
0x98: {  	s20 =	sld [smem:$0x3FDB];
	_ =	sdelay $0x1  }
0x99: {  	s4 =	simm.s32 $_scs_section_size  }
0x9a: {  	s5 =	simm.s32 $_size__tile_overlayer_lowered;
	s6 =	simm.s32 $_tile_overlayer_lowered  }
0x9b: {  	s7 =	simm.s32 $0x1BFF;
	s21 =	sshll.u32 s6, $0x1;
	s4 =	sadd.s32 s4, s20  }
0x9c: {  	s22 =	simm.s32 $0x0;
	s5 =	sshll.u32 s5, $0x1;
	s6 =	sadd.s32 s21, s4  }
0x9d: {  	[timem:s22], [sflag:s7] =	dma.local [hbm:s6], s5  }
0x9e: {  	_ =	swait.ge [sflag:s7], s5  }
0x9f: {  	s5 =	ssub.s32 $0x0, s5;
	[sflag:s7] =	ssyncset.done $0x0  }
0xa0: {  	[sflag:s7] =	ssyncadd.s32 s5;
	_ =	sdelay $0x1  }
0xa1: {  	s23 =	simm.s32 $0x1B8B  }
0xa2: {  	_ =	swait.ge [sflag:s23], $0x1  }
0xa3: {  	[sflag:s23] =	ssyncset.done $0x0  }
0xa4: {  	[sflag:s23] =	ssyncadd.s32 $0xFFFFFFFF  }
0xa5: {  	s5 =	sld [smem:$0x0]  }
0xa6: {  	s6 =	sand.u32 $0xFFFFFFFE, s1  }
0xa7: {  	p0 =	sne.s32 s1, s6  }
0xa8: {  	s6 =	sshll.u32 @p0 s6, $0xE  }
0xa9: {  	s6 =	sadd.s32 @p0 $0x11B8D, s6;
	s7 =	sshll.u32 @p0 s5, $0x11  }
0xaa: {  	s6 =	sor.u32 @p0 s7, s6  }
0xab: {  	[sflag:s6] =	ssyncadd.remote.s32 @p0 $0x1;
	_ =	sdelay $0x1  }
0xac: {  	s6 =	simm.s32 @p0 $0x1B8D  }
0xad: {  	_ =	swait.eq @p0 [sflag:s6], $0x1  }
0xae: {  	[sflag:s6] =	ssyncadd.s32 @p0 $0xFFFFFFFF  }
0xaf: {  	s7 =	sshll.u32 @!p0 s1, $0xE  }
0xb0: {  	s7 =	sor.u32 @!p0 $0x4000, s7;
	s6 =	simm.s32 @!p0 $0x1B8D  }
0xb1: {  	s5 =	sshll.u32 @!p0 s5, $0x11;
	s7 =	sadd.s32 @!p0 $0x11B8D, s7;
	_ =	swait.eq @!p0 [sflag:s6], $0x1  }
0xb2: {  	s5 =	sor.u32 @!p0 s5, s7;
	[sflag:s6] =	ssyncadd.s32 @!p0 $0xFFFFFFFF  }
0xb3: {  	s25 =	simm.s32 $0x1B8E;
	s24 =	sld [smem:$0x3FFE];
	[sflag:s5] =	ssyncadd.remote.s32 @!p0 $0x1  }
0xb4: {  	s26 =	simm.s32 $execute0_lowered;
	[smem:$0x3FD2] =	sst s25  }
0xb5: {  	s6 =	sshll.u32 s26, $0x1;
	_ =	strace $0x80000049;
	[dreg:$0x1] =	wrdreg $0xFFFFFFFF  }
0xb6: {  	s28 =	simm.s32 $_size_execute0_lowered;
	s4 =	sadd.s32 s4, s6;
	[dreg:$0x0] =	wrdreg $0x0  }
0xb7: {  	s6 =	sshll.u32 s28, $0x1;
	[dreg:$0x2] =	wrdreg s4  }
0xb8: {  	[dreg:$0x3] =	wrdreg s6  }
0xb9: {  	[dreg:$0x4] =	wrdreg $0xC0  }
0xba: {  	_ =	task [dreg:s22], $0x5FFFF  }
0xbb: {  	[dreg:$0x1] =	wrdreg $0xFFFFFFFF  }
0xbc: {  	[dreg:$0x0] =	wrdreg $0x60  }
0xbd: {  	[dreg:$0x2] =	wrdreg s18  }
0xbe: {  	[dreg:$0x3] =	wrdreg s24  }
0xbf: {  	[dreg:$0x4] =	wrdreg $0xA  }
0xc0: {  	_ =	task.clear_ibuf [dreg:s22], $0x5FFFF;
	_ =	strace $0x90000049  }
0xc1: {  	s29 =	simm.s32 $0xA;
	_ =	strace $0x8000004B  }
0xc2: {  	_ =	swait.ge [sflag:s29], $0x1  }
0xc3: {  	[sflag:s29] =	ssyncadd.s32 $0xFFFFFFFF  }
0xc4: {  	_ =	strace $0x9000004B  }
0xc5: {  	_ =	sfence  }
0xc6: {  	s30 =	sld [smem:$0x0];
	_ =	sdelay $0x2  }
0xc7: {  	s31 =	sshll.u32 s1, $0xD;
	s1 =	sshrl.u32 s1, $0x2  }
0xc8: {  	s4 =	sand.u32 $0x4000, s31;
	s1 =	sadd.s32 s1, s30  }
0xc9: {  	s0 =	sor.u32 s4, s0;
	s1 =	sshll.u32 s1, $0x11  }
0xca: {  	s0 =	sor.u32 s1, s0  }
0xcb: {  	s0 =	sadd.s32 $0x8F2B, s0  }
0xcc: {  	[sflag:s0] =	ssyncadd.remote.s32 $0x1  }
0xcd: {  	_ =	sfence.sel $0xFFFF  }
0xce: {  	[dreg:$0x0] =	wrdreg $0xFFFFFFFF;
	(pc) =	sbr.abs _section_cstart, $3  }
0xcf: {  	[dreg:$0x1] =	wrdreg $0xFFFFFFFF  }
0xd0: {  	_ =	task.clear_ibuf [dreg:s22], $0x2FFFF;
	_ =	strace $0x9FFFFFFF  }
0xd1: {  	(tm) =	ssettm $0x7FFFFFFF  }
tec
execute0_lowered:
.L_overlay_start_1:
0x0: {  	(tag) =	ssettag $0x1  }
0x1: {  	s1 =	rddreg [dreg:$0x0]  }
0x2: {  	s4 =	rddreg [dreg:$0x1]  }
0x3: {  	s0 =	rddreg [dreg:$0x2];
	s5 =	srdreg.scid  }
0x4: {  	s3 =	simm.s32 $0x0;
	s2 =	stileid.u32;
	s10 =	simm.s32 $0x2  }
0x5: {  	s11 =	simm.s32 $0x200;
	s12 =	simm.s32 $0xA00;
	s13 =	simm.s32 $0x1200  }
0x6: {  	s14 =	simm.s32 $0x1A00;
	s15 =	simm.s32 $0x2200;
	s16 =	simm.s32 $0x2A00  }
0x7: {  	s17 =	simm.s32 $0x3200;
	s18 =	simm.s32 $0x3A00;
	s19 =	simm.s32 $0x4200  }
0x8: {  	s20 =	simm.s32 $0x4A00;
	s21 =	simm.s32 $0x5200;
	s22 =	simm.s32 $0x5A00  }
0x9: {  	s23 =	simm.s32 $0x6200;
	s24 =	simm.s32 $0x6A00;
	s25 =	simm.s32 $0x7200  }
0xa: {  	s26 =	simm.s32 $0x7A00;
	s28 =	simm.s32 $0x1;
	s5 =	sand.u32 $0x1, s5  }
0xb: {  	[smem:$0x7FF] =	sst s3;
	s6 =	sshll.u32 s2, $0xF;
	s31 =	sshll.u32 s2, $0x7  }
0xc: {  	s7 =	sshll.u32 s5, $0xE;
	_ =	strace $0x8000004A;
	s29 =	ssub.s32 $0x2, s5  }
0xd: {  	s5 =	sshll.u32 s5, $0x6;
	s6 =	sor.u32 s7, s6;
	s30 =	sshrl.u32 s29, $0x1  }
0xe: {  	v2 =	vlaneseq.u32;
	s8 =	sadd.s32 s6, s4;
	s9 =	ssub.s32 s29, s30;
	s4 =	sadd.s32 s4, s5  }
0xf: {  	vm0 =	vmmov $0xffff;
	v1 =	vshrl.u32 v2, $0x3;
	s4 =	sadd.s32 s31, s4;
	s5 =	sadd.s32 $0x1400, s8;
	s6 =	sadd.s32 $0x2400, s8  }
0x10: {  	v0 =	vand.u32 $0x7, v2;
	v2 =	vor.u32 $0x8, v2;
	v1 =	vmul.u32 $0x8, v1;
	s7 =	sadd.s32 $0x3400, s8;
	s8 =	sadd.s32 $0x4400, s8;
	s9 =	smax.u32 s9, $0x1  }
.LBB2_1:
0x11: {  	[tilespmem:s3], [sflag:$0x2] =	stream.linear.gather [hbm4b:s4+s3], $0x200, $0x38;
	[tilespmem:$0x8200] =	vst v63  }
0x12: {  	_ =	swait.ge [sflag:s10], $0x200  }
0x13: {  	[sflag:s10] =	ssyncset.done $0x0  }
0x14: {  	[sflag:s10] =	ssyncadd.s32 $0xFFFFFE00  }
0x15: {  	v3 =	vld [tilespmem:$0x0];
	_ =	sdelay $0x4  }
0x16: {  	v4 =	vshll.u32 v3, $0x1  }
0x17: {  	v3 =	vand.u32 $0x7, v3;
	v4 =	vand.u32 $0xFFFFFFF0, v4  }
0x18: {  	v3 =	vor.u32 v3, v4  }
0x19: {  	v4 =	vperm.xlane v3, v0;
	_ =	sdelay $0x1  }
0x1a: {  	v3 =	vperm.xlane v3, v2;
	v4 =	vadd.s32 v1, v4;
	_ =	sdelay $0x1  }
0x1b: {  	v3 =	vadd.s32 v1, v3;
	_ =	sdelay $0x2  }
0x1c: {  	[tilespmem:s11], [sflag:$0x1] =	stream.indirect_vreg.gather [hbm4b:s1+s3], $0x80, v4, vm0, $0xb8;
	[tilespmem:$0x8200] =	vst v63  }
0x1d: {  	_ = 	snop  }
0x1e: {  	[tilespmem:s12], [sflag:$0x1] =	stream.indirect_vreg.gather [hbm4b:s1+s3], $0x80, v3, vm0, $0xb8;
	[tilespmem:$0x8200] =	vst v63  }
0x1f: {  	v3 =	vld [tilespmem:$0x10];
	_ =	sdelay $0x4  }
0x20: {  	v33 =	vshll.u32 v3, $0x1  }
0x21: {  	v3 =	vand.u32 $0x7, v3;
	v4 =	vand.u32 $0xFFFFFFF0, v33  }
0x22: {  	v3 =	vor.u32 v3, v4  }
0x23: {  	v4 =	vperm.xlane v3, v0;
	_ =	sdelay $0x1  }
0x24: {  	v3 =	vperm.xlane v3, v2;
	v4 =	vadd.s32 v1, v4;
	_ =	sdelay $0x1  }
0x25: {  	v3 =	vadd.s32 v1, v3;
	_ =	sdelay $0x2  }
0x26: {  	[tilespmem:s13], [sflag:$0x1] =	stream.indirect_vreg.gather [hbm4b:s1+s3], $0x80, v4, vm0, $0xb8;
	[tilespmem:$0x8200] =	vst v63  }
0x27: {  	_ = 	snop  }
0x28: {  	[tilespmem:s14], [sflag:$0x1] =	stream.indirect_vreg.gather [hbm4b:s1+s3], $0x80, v3, vm0, $0xb8;
	[tilespmem:$0x8200] =	vst v63  }
0x29: {  	v3 =	vld [tilespmem:$0x20];
	_ =	sdelay $0x4  }
0x2a: {  	v34 =	vshll.u32 v3, $0x1  }
0x2b: {  	v3 =	vand.u32 $0x7, v3;
	v4 =	vand.u32 $0xFFFFFFF0, v34  }
0x2c: {  	v3 =	vor.u32 v3, v4  }
0x2d: {  	v4 =	vperm.xlane v3, v0;
	_ =	sdelay $0x1  }
0x2e: {  	v3 =	vperm.xlane v3, v2;
	v4 =	vadd.s32 v1, v4;
	_ =	sdelay $0x1  }
0x2f: {  	v3 =	vadd.s32 v1, v3;
	_ =	sdelay $0x2  }
0x30: {  	[tilespmem:s15], [sflag:$0x1] =	stream.indirect_vreg.gather [hbm4b:s1+s3], $0x80, v4, vm0, $0xb8;
	[tilespmem:$0x8200] =	vst v63  }
0x31: {  	_ = 	snop  }
0x32: {  	[tilespmem:s16], [sflag:$0x1] =	stream.indirect_vreg.gather [hbm4b:s1+s3], $0x80, v3, vm0, $0xb8;
	[tilespmem:$0x8200] =	vst v63  }
0x33: {  	v3 =	vld [tilespmem:$0x30];
	_ =	sdelay $0x4  }
0x34: {  	v35 =	vshll.u32 v3, $0x1  }
0x35: {  	v3 =	vand.u32 $0x7, v3;
	v4 =	vand.u32 $0xFFFFFFF0, v35  }
0x36: {  	v3 =	vor.u32 v3, v4  }
0x37: {  	v4 =	vperm.xlane v3, v0;
	_ =	sdelay $0x1  }
0x38: {  	v3 =	vperm.xlane v3, v2;
	v4 =	vadd.s32 v1, v4;
	_ =	sdelay $0x1  }
0x39: {  	v3 =	vadd.s32 v1, v3;
	_ =	sdelay $0x2  }
0x3a: {  	[tilespmem:s17], [sflag:$0x1] =	stream.indirect_vreg.gather [hbm4b:s1+s3], $0x80, v4, vm0, $0xb8;
	[tilespmem:$0x8200] =	vst v63  }
0x3b: {  	_ = 	snop  }
0x3c: {  	[tilespmem:s18], [sflag:$0x1] =	stream.indirect_vreg.gather [hbm4b:s1+s3], $0x80, v3, vm0, $0xb8;
	[tilespmem:$0x8200] =	vst v63  }
0x3d: {  	v3 =	vld [tilespmem:$0x40];
	_ =	sdelay $0x4  }
0x3e: {  	v36 =	vshll.u32 v3, $0x1  }
0x3f: {  	v3 =	vand.u32 $0x7, v3;
	v4 =	vand.u32 $0xFFFFFFF0, v36  }
0x40: {  	v3 =	vor.u32 v3, v4  }
0x41: {  	v4 =	vperm.xlane v3, v0;
	_ =	sdelay $0x1  }
0x42: {  	v3 =	vperm.xlane v3, v2;
	v4 =	vadd.s32 v1, v4;
	_ =	sdelay $0x1  }
0x43: {  	v3 =	vadd.s32 v1, v3;
	_ =	sdelay $0x2  }
0x44: {  	[tilespmem:s19], [sflag:$0x1] =	stream.indirect_vreg.gather [hbm4b:s1+s3], $0x80, v4, vm0, $0xb8;
	[tilespmem:$0x8200] =	vst v63  }
0x45: {  	_ = 	snop  }
0x46: {  	[tilespmem:s20], [sflag:$0x1] =	stream.indirect_vreg.gather [hbm4b:s1+s3], $0x80, v3, vm0, $0xb8;
	[tilespmem:$0x8200] =	vst v63  }
0x47: {  	v3 =	vld [tilespmem:$0x50];
	_ =	sdelay $0x4  }
0x48: {  	v37 =	vshll.u32 v3, $0x1  }
0x49: {  	v3 =	vand.u32 $0x7, v3;
	v4 =	vand.u32 $0xFFFFFFF0, v37  }
0x4a: {  	v3 =	vor.u32 v3, v4  }
0x4b: {  	v4 =	vperm.xlane v3, v0;
	_ =	sdelay $0x1  }
0x4c: {  	v3 =	vperm.xlane v3, v2;
	v4 =	vadd.s32 v1, v4;
	_ =	sdelay $0x1  }
0x4d: {  	v3 =	vadd.s32 v1, v3;
	_ =	sdelay $0x2  }
0x4e: {  	[tilespmem:s21], [sflag:$0x1] =	stream.indirect_vreg.gather [hbm4b:s1+s3], $0x80, v4, vm0, $0xb8;
	[tilespmem:$0x8200] =	vst v63  }
0x4f: {  	_ = 	snop  }
0x50: {  	[tilespmem:s22], [sflag:$0x1] =	stream.indirect_vreg.gather [hbm4b:s1+s3], $0x80, v3, vm0, $0xb8;
	[tilespmem:$0x8200] =	vst v63  }
0x51: {  	v3 =	vld [tilespmem:$0x60];
	_ =	sdelay $0x4  }
0x52: {  	v38 =	vshll.u32 v3, $0x1  }
0x53: {  	v3 =	vand.u32 $0x7, v3;
	v4 =	vand.u32 $0xFFFFFFF0, v38  }
0x54: {  	v3 =	vor.u32 v3, v4  }
0x55: {  	v4 =	vperm.xlane v3, v0;
	_ =	sdelay $0x1  }
0x56: {  	v3 =	vperm.xlane v3, v2;
	v4 =	vadd.s32 v1, v4;
	_ =	sdelay $0x1  }
0x57: {  	v3 =	vadd.s32 v1, v3;
	_ =	sdelay $0x2  }
0x58: {  	[tilespmem:s23], [sflag:$0x1] =	stream.indirect_vreg.gather [hbm4b:s1+s3], $0x80, v4, vm0, $0xb8;
	[tilespmem:$0x8200] =	vst v63  }
0x59: {  	_ = 	snop  }
0x5a: {  	[tilespmem:s24], [sflag:$0x1] =	stream.indirect_vreg.gather [hbm4b:s1+s3], $0x80, v3, vm0, $0xb8;
	[tilespmem:$0x8200] =	vst v63  }
0x5b: {  	v3 =	vld [tilespmem:$0x70];
	_ =	sdelay $0x4  }
0x5c: {  	v39 =	vshll.u32 v3, $0x1  }
0x5d: {  	v3 =	vand.u32 $0x7, v3;
	v4 =	vand.u32 $0xFFFFFFF0, v39  }
0x5e: {  	v3 =	vor.u32 v3, v4  }
0x5f: {  	v4 =	vperm.xlane v3, v0;
	_ =	sdelay $0x1  }
0x60: {  	v3 =	vperm.xlane v3, v2;
	v4 =	vadd.s32 v1, v4;
	_ =	sdelay $0x1  }
0x61: {  	v3 =	vadd.s32 v1, v3;
	_ =	sdelay $0x2  }
0x62: {  	[tilespmem:s25], [sflag:$0x1] =	stream.indirect_vreg.gather [hbm4b:s1+s3], $0x80, v4, vm0, $0xb8;
	[tilespmem:$0x8200] =	vst v63  }
0x63: {  	_ = 	snop  }
0x64: {  	[tilespmem:s26], [sflag:$0x1] =	stream.indirect_vreg.gather [hbm4b:s1+s3], $0x80, v3, vm0, $0xb8;
	[tilespmem:$0x8200] =	vst v63  }
0x65: {  	_ =	swait.ge [sflag:s28], $0x8000  }
0x66: {  	[sflag:s28] =	ssyncset.done $0x0  }
0x67: {  	[sflag:s28] =	ssyncadd.s32 $0xFFFF8000  }
0x68: {  	[hbm4b:s5+s3] =	stream.linear.scatter [tilespmem:s11], [sflag:$0x2], $0x8000, $0x38;
	[tilespmem:$0x8200] =	vst v63  }
0x69: {  	_ =	swait.ge [sflag:s10], $0x8000  }
0x6a: {  	[sflag:s10] =	ssyncset.done $0x0  }
0x6b: {  	[sflag:s10] =	ssyncadd.s32 $0xFFFF8000  }
0x6c: {  	v3 =	vld [tilespmem:$0x80];
	_ =	sdelay $0x4  }
0x6d: {  	v40 =	vshll.u32 v3, $0x1  }
0x6e: {  	v3 =	vand.u32 $0x7, v3;
	v4 =	vand.u32 $0xFFFFFFF0, v40  }
0x6f: {  	v3 =	vor.u32 v3, v4  }
0x70: {  	v4 =	vperm.xlane v3, v0;
	_ =	sdelay $0x1  }
0x71: {  	v3 =	vperm.xlane v3, v2;
	v4 =	vadd.s32 v1, v4;
	_ =	sdelay $0x1  }
0x72: {  	v3 =	vadd.s32 v1, v3;
	_ =	sdelay $0x2  }
0x73: {  	[tilespmem:s11], [sflag:$0x1] =	stream.indirect_vreg.gather [hbm4b:s1+s3], $0x80, v4, vm0, $0xb8;
	[tilespmem:$0x8200] =	vst v63  }
0x74: {  	_ = 	snop  }
0x75: {  	[tilespmem:s12], [sflag:$0x1] =	stream.indirect_vreg.gather [hbm4b:s1+s3], $0x80, v3, vm0, $0xb8;
	[tilespmem:$0x8200] =	vst v63  }
0x76: {  	v3 =	vld [tilespmem:$0x90];
	_ =	sdelay $0x4  }
0x77: {  	v41 =	vshll.u32 v3, $0x1  }
0x78: {  	v3 =	vand.u32 $0x7, v3;
	v4 =	vand.u32 $0xFFFFFFF0, v41  }
0x79: {  	v3 =	vor.u32 v3, v4  }
0x7a: {  	v4 =	vperm.xlane v3, v0;
	_ =	sdelay $0x1  }
0x7b: {  	v3 =	vperm.xlane v3, v2;
	v4 =	vadd.s32 v1, v4;
	_ =	sdelay $0x1  }
0x7c: {  	v3 =	vadd.s32 v1, v3;
	_ =	sdelay $0x2  }
0x7d: {  	[tilespmem:s13], [sflag:$0x1] =	stream.indirect_vreg.gather [hbm4b:s1+s3], $0x80, v4, vm0, $0xb8;
	[tilespmem:$0x8200] =	vst v63  }
0x7e: {  	_ = 	snop  }
0x7f: {  	[tilespmem:s14], [sflag:$0x1] =	stream.indirect_vreg.gather [hbm4b:s1+s3], $0x80, v3, vm0, $0xb8;
	[tilespmem:$0x8200] =	vst v63  }
0x80: {  	v3 =	vld [tilespmem:$0xA0];
	_ =	sdelay $0x4  }
0x81: {  	v42 =	vshll.u32 v3, $0x1  }
0x82: {  	v3 =	vand.u32 $0x7, v3;
	v4 =	vand.u32 $0xFFFFFFF0, v42  }
0x83: {  	v3 =	vor.u32 v3, v4  }
0x84: {  	v4 =	vperm.xlane v3, v0;
	_ =	sdelay $0x1  }
0x85: {  	v3 =	vperm.xlane v3, v2;
	v4 =	vadd.s32 v1, v4;
	_ =	sdelay $0x1  }
0x86: {  	v3 =	vadd.s32 v1, v3;
	_ =	sdelay $0x2  }
0x87: {  	[tilespmem:s15], [sflag:$0x1] =	stream.indirect_vreg.gather [hbm4b:s1+s3], $0x80, v4, vm0, $0xb8;
	[tilespmem:$0x8200] =	vst v63  }
0x88: {  	_ = 	snop  }
0x89: {  	[tilespmem:s16], [sflag:$0x1] =	stream.indirect_vreg.gather [hbm4b:s1+s3], $0x80, v3, vm0, $0xb8;
	[tilespmem:$0x8200] =	vst v63  }
0x8a: {  	v3 =	vld [tilespmem:$0xB0];
	_ =	sdelay $0x4  }
0x8b: {  	v43 =	vshll.u32 v3, $0x1  }
0x8c: {  	v3 =	vand.u32 $0x7, v3;
	v4 =	vand.u32 $0xFFFFFFF0, v43  }
0x8d: {  	v3 =	vor.u32 v3, v4  }
0x8e: {  	v4 =	vperm.xlane v3, v0;
	_ =	sdelay $0x1  }
0x8f: {  	v3 =	vperm.xlane v3, v2;
	v4 =	vadd.s32 v1, v4;
	_ =	sdelay $0x1  }
0x90: {  	v3 =	vadd.s32 v1, v3;
	_ =	sdelay $0x2  }
0x91: {  	[tilespmem:s17], [sflag:$0x1] =	stream.indirect_vreg.gather [hbm4b:s1+s3], $0x80, v4, vm0, $0xb8;
	[tilespmem:$0x8200] =	vst v63  }
0x92: {  	_ = 	snop  }
0x93: {  	[tilespmem:s18], [sflag:$0x1] =	stream.indirect_vreg.gather [hbm4b:s1+s3], $0x80, v3, vm0, $0xb8;
	[tilespmem:$0x8200] =	vst v63  }
0x94: {  	v3 =	vld [tilespmem:$0xC0];
	_ =	sdelay $0x4  }
0x95: {  	v44 =	vshll.u32 v3, $0x1  }
0x96: {  	v3 =	vand.u32 $0x7, v3;
	v4 =	vand.u32 $0xFFFFFFF0, v44  }
0x97: {  	v3 =	vor.u32 v3, v4  }
0x98: {  	v4 =	vperm.xlane v3, v0;
	_ =	sdelay $0x1  }
0x99: {  	v3 =	vperm.xlane v3, v2;
	v4 =	vadd.s32 v1, v4;
	_ =	sdelay $0x1  }
0x9a: {  	v3 =	vadd.s32 v1, v3;
	_ =	sdelay $0x2  }
0x9b: {  	[tilespmem:s19], [sflag:$0x1] =	stream.indirect_vreg.gather [hbm4b:s1+s3], $0x80, v4, vm0, $0xb8;
	[tilespmem:$0x8200] =	vst v63  }
0x9c: {  	_ = 	snop  }
0x9d: {  	[tilespmem:s20], [sflag:$0x1] =	stream.indirect_vreg.gather [hbm4b:s1+s3], $0x80, v3, vm0, $0xb8;
	[tilespmem:$0x8200] =	vst v63  }
0x9e: {  	v3 =	vld [tilespmem:$0xD0];
	_ =	sdelay $0x4  }
0x9f: {  	v45 =	vshll.u32 v3, $0x1  }
0xa0: {  	v3 =	vand.u32 $0x7, v3;
	v4 =	vand.u32 $0xFFFFFFF0, v45  }
0xa1: {  	v3 =	vor.u32 v3, v4  }
0xa2: {  	v4 =	vperm.xlane v3, v0;
	_ =	sdelay $0x1  }
0xa3: {  	v3 =	vperm.xlane v3, v2;
	v4 =	vadd.s32 v1, v4;
	_ =	sdelay $0x1  }
0xa4: {  	v3 =	vadd.s32 v1, v3;
	_ =	sdelay $0x2  }
0xa5: {  	[tilespmem:s21], [sflag:$0x1] =	stream.indirect_vreg.gather [hbm4b:s1+s3], $0x80, v4, vm0, $0xb8;
	[tilespmem:$0x8200] =	vst v63  }
0xa6: {  	_ = 	snop  }
0xa7: {  	[tilespmem:s22], [sflag:$0x1] =	stream.indirect_vreg.gather [hbm4b:s1+s3], $0x80, v3, vm0, $0xb8;
	[tilespmem:$0x8200] =	vst v63  }
0xa8: {  	v3 =	vld [tilespmem:$0xE0];
	_ =	sdelay $0x4  }
0xa9: {  	v46 =	vshll.u32 v3, $0x1  }
0xaa: {  	v3 =	vand.u32 $0x7, v3;
	v4 =	vand.u32 $0xFFFFFFF0, v46  }
0xab: {  	v3 =	vor.u32 v3, v4  }
0xac: {  	v4 =	vperm.xlane v3, v0;
	_ =	sdelay $0x1  }
0xad: {  	v3 =	vperm.xlane v3, v2;
	v4 =	vadd.s32 v1, v4;
	_ =	sdelay $0x1  }
0xae: {  	v3 =	vadd.s32 v1, v3;
	_ =	sdelay $0x2  }
0xaf: {  	[tilespmem:s23], [sflag:$0x1] =	stream.indirect_vreg.gather [hbm4b:s1+s3], $0x80, v4, vm0, $0xb8;
	[tilespmem:$0x8200] =	vst v63  }
0xb0: {  	_ = 	snop  }
0xb1: {  	[tilespmem:s24], [sflag:$0x1] =	stream.indirect_vreg.gather [hbm4b:s1+s3], $0x80, v3, vm0, $0xb8;
	[tilespmem:$0x8200] =	vst v63  }
0xb2: {  	v3 =	vld [tilespmem:$0xF0];
	_ =	sdelay $0x4  }
0xb3: {  	v47 =	vshll.u32 v3, $0x1  }
0xb4: {  	v3 =	vand.u32 $0x7, v3;
	v4 =	vand.u32 $0xFFFFFFF0, v47  }
0xb5: {  	v3 =	vor.u32 v3, v4  }
0xb6: {  	v4 =	vperm.xlane v3, v0;
	_ =	sdelay $0x1  }
0xb7: {  	v3 =	vperm.xlane v3, v2;
	v4 =	vadd.s32 v1, v4;
	_ =	sdelay $0x1  }
0xb8: {  	v3 =	vadd.s32 v1, v3;
	_ =	sdelay $0x2  }
0xb9: {  	[tilespmem:s25], [sflag:$0x1] =	stream.indirect_vreg.gather [hbm4b:s1+s3], $0x80, v4, vm0, $0xb8;
	[tilespmem:$0x8200] =	vst v63  }
0xba: {  	_ = 	snop  }
0xbb: {  	[tilespmem:s26], [sflag:$0x1] =	stream.indirect_vreg.gather [hbm4b:s1+s3], $0x80, v3, vm0, $0xb8;
	[tilespmem:$0x8200] =	vst v63  }
0xbc: {  	_ =	swait.ge [sflag:s28], $0x8000  }
0xbd: {  	[sflag:s28] =	ssyncset.done $0x0  }
0xbe: {  	[sflag:s28] =	ssyncadd.s32 $0xFFFF8000  }
0xbf: {  	[hbm4b:s6+s3] =	stream.linear.scatter [tilespmem:s11], [sflag:$0x2], $0x8000, $0x38;
	[tilespmem:$0x8200] =	vst v63  }
0xc0: {  	_ =	swait.ge [sflag:s10], $0x8000  }
0xc1: {  	[sflag:s10] =	ssyncset.done $0x0  }
0xc2: {  	[sflag:s10] =	ssyncadd.s32 $0xFFFF8000  }
0xc3: {  	v3 =	vld [tilespmem:$0x100];
	_ =	sdelay $0x4  }
0xc4: {  	v48 =	vshll.u32 v3, $0x1  }
0xc5: {  	v3 =	vand.u32 $0x7, v3;
	v4 =	vand.u32 $0xFFFFFFF0, v48  }
0xc6: {  	v3 =	vor.u32 v3, v4  }
0xc7: {  	v4 =	vperm.xlane v3, v0;
	_ =	sdelay $0x1  }
0xc8: {  	v3 =	vperm.xlane v3, v2;
	v4 =	vadd.s32 v1, v4;
	_ =	sdelay $0x1  }
0xc9: {  	v3 =	vadd.s32 v1, v3;
	_ =	sdelay $0x2  }
0xca: {  	[tilespmem:s11], [sflag:$0x1] =	stream.indirect_vreg.gather [hbm4b:s1+s3], $0x80, v4, vm0, $0xb8;
	[tilespmem:$0x8200] =	vst v63  }
0xcb: {  	_ = 	snop  }
0xcc: {  	[tilespmem:s12], [sflag:$0x1] =	stream.indirect_vreg.gather [hbm4b:s1+s3], $0x80, v3, vm0, $0xb8;
	[tilespmem:$0x8200] =	vst v63  }
0xcd: {  	v3 =	vld [tilespmem:$0x110];
	_ =	sdelay $0x4  }
0xce: {  	v49 =	vshll.u32 v3, $0x1  }
0xcf: {  	v3 =	vand.u32 $0x7, v3;
	v4 =	vand.u32 $0xFFFFFFF0, v49  }
0xd0: {  	v3 =	vor.u32 v3, v4  }
0xd1: {  	v4 =	vperm.xlane v3, v0;
	_ =	sdelay $0x1  }
0xd2: {  	v3 =	vperm.xlane v3, v2;
	v4 =	vadd.s32 v1, v4;
	_ =	sdelay $0x1  }
0xd3: {  	v3 =	vadd.s32 v1, v3;
	_ =	sdelay $0x2  }
0xd4: {  	[tilespmem:s13], [sflag:$0x1] =	stream.indirect_vreg.gather [hbm4b:s1+s3], $0x80, v4, vm0, $0xb8;
	[tilespmem:$0x8200] =	vst v63  }
0xd5: {  	_ = 	snop  }
0xd6: {  	[tilespmem:s14], [sflag:$0x1] =	stream.indirect_vreg.gather [hbm4b:s1+s3], $0x80, v3, vm0, $0xb8;
	[tilespmem:$0x8200] =	vst v63  }
0xd7: {  	v3 =	vld [tilespmem:$0x120];
	_ =	sdelay $0x4  }
0xd8: {  	v50 =	vshll.u32 v3, $0x1  }
0xd9: {  	v3 =	vand.u32 $0x7, v3;
	v4 =	vand.u32 $0xFFFFFFF0, v50  }
0xda: {  	v3 =	vor.u32 v3, v4  }
0xdb: {  	v4 =	vperm.xlane v3, v0;
	_ =	sdelay $0x1  }
0xdc: {  	v3 =	vperm.xlane v3, v2;
	v4 =	vadd.s32 v1, v4;
	_ =	sdelay $0x1  }
0xdd: {  	v3 =	vadd.s32 v1, v3;
	_ =	sdelay $0x2  }
0xde: {  	[tilespmem:s15], [sflag:$0x1] =	stream.indirect_vreg.gather [hbm4b:s1+s3], $0x80, v4, vm0, $0xb8;
	[tilespmem:$0x8200] =	vst v63  }
0xdf: {  	_ = 	snop  }
0xe0: {  	[tilespmem:s16], [sflag:$0x1] =	stream.indirect_vreg.gather [hbm4b:s1+s3], $0x80, v3, vm0, $0xb8;
	[tilespmem:$0x8200] =	vst v63  }
0xe1: {  	v3 =	vld [tilespmem:$0x130];
	_ =	sdelay $0x4  }
0xe2: {  	v51 =	vshll.u32 v3, $0x1  }
0xe3: {  	v3 =	vand.u32 $0x7, v3;
	v4 =	vand.u32 $0xFFFFFFF0, v51  }
0xe4: {  	v3 =	vor.u32 v3, v4  }
0xe5: {  	v4 =	vperm.xlane v3, v0;
	_ =	sdelay $0x1  }
0xe6: {  	v3 =	vperm.xlane v3, v2;
	v4 =	vadd.s32 v1, v4;
	_ =	sdelay $0x1  }
0xe7: {  	v3 =	vadd.s32 v1, v3;
	_ =	sdelay $0x2  }
0xe8: {  	[tilespmem:s17], [sflag:$0x1] =	stream.indirect_vreg.gather [hbm4b:s1+s3], $0x80, v4, vm0, $0xb8;
	[tilespmem:$0x8200] =	vst v63  }
0xe9: {  	_ = 	snop  }
0xea: {  	[tilespmem:s18], [sflag:$0x1] =	stream.indirect_vreg.gather [hbm4b:s1+s3], $0x80, v3, vm0, $0xb8;
	[tilespmem:$0x8200] =	vst v63  }
0xeb: {  	v3 =	vld [tilespmem:$0x140];
	_ =	sdelay $0x4  }
0xec: {  	v52 =	vshll.u32 v3, $0x1  }
0xed: {  	v3 =	vand.u32 $0x7, v3;
	v4 =	vand.u32 $0xFFFFFFF0, v52  }
0xee: {  	v3 =	vor.u32 v3, v4  }
0xef: {  	v4 =	vperm.xlane v3, v0;
	_ =	sdelay $0x1  }
0xf0: {  	v3 =	vperm.xlane v3, v2;
	v4 =	vadd.s32 v1, v4;
	_ =	sdelay $0x1  }
0xf1: {  	v3 =	vadd.s32 v1, v3;
	_ =	sdelay $0x2  }
0xf2: {  	[tilespmem:s19], [sflag:$0x1] =	stream.indirect_vreg.gather [hbm4b:s1+s3], $0x80, v4, vm0, $0xb8;
	[tilespmem:$0x8200] =	vst v63  }
0xf3: {  	_ = 	snop  }
0xf4: {  	[tilespmem:s20], [sflag:$0x1] =	stream.indirect_vreg.gather [hbm4b:s1+s3], $0x80, v3, vm0, $0xb8;
	[tilespmem:$0x8200] =	vst v63  }
0xf5: {  	v3 =	vld [tilespmem:$0x150];
	_ =	sdelay $0x4  }
0xf6: {  	v53 =	vshll.u32 v3, $0x1  }
0xf7: {  	v3 =	vand.u32 $0x7, v3;
	v4 =	vand.u32 $0xFFFFFFF0, v53  }
0xf8: {  	v3 =	vor.u32 v3, v4  }
0xf9: {  	v4 =	vperm.xlane v3, v0;
	_ =	sdelay $0x1  }
0xfa: {  	v3 =	vperm.xlane v3, v2;
	v4 =	vadd.s32 v1, v4;
	_ =	sdelay $0x1  }
0xfb: {  	v3 =	vadd.s32 v1, v3;
	_ =	sdelay $0x2  }
0xfc: {  	[tilespmem:s21], [sflag:$0x1] =	stream.indirect_vreg.gather [hbm4b:s1+s3], $0x80, v4, vm0, $0xb8;
	[tilespmem:$0x8200] =	vst v63  }
0xfd: {  	_ = 	snop  }
0xfe: {  	[tilespmem:s22], [sflag:$0x1] =	stream.indirect_vreg.gather [hbm4b:s1+s3], $0x80, v3, vm0, $0xb8;
	[tilespmem:$0x8200] =	vst v63  }
0xff: {  	v3 =	vld [tilespmem:$0x160];
	_ =	sdelay $0x4  }
0x100: {  	v54 =	vshll.u32 v3, $0x1  }
0x101: {  	v3 =	vand.u32 $0x7, v3;
	v4 =	vand.u32 $0xFFFFFFF0, v54  }
0x102: {  	v3 =	vor.u32 v3, v4  }
0x103: {  	v4 =	vperm.xlane v3, v0;
	_ =	sdelay $0x1  }
0x104: {  	v3 =	vperm.xlane v3, v2;
	v4 =	vadd.s32 v1, v4;
	_ =	sdelay $0x1  }
0x105: {  	v3 =	vadd.s32 v1, v3;
	_ =	sdelay $0x2  }
0x106: {  	[tilespmem:s23], [sflag:$0x1] =	stream.indirect_vreg.gather [hbm4b:s1+s3], $0x80, v4, vm0, $0xb8;
	[tilespmem:$0x8200] =	vst v63  }
0x107: {  	_ = 	snop  }
0x108: {  	[tilespmem:s24], [sflag:$0x1] =	stream.indirect_vreg.gather [hbm4b:s1+s3], $0x80, v3, vm0, $0xb8;
	[tilespmem:$0x8200] =	vst v63  }
0x109: {  	v3 =	vld [tilespmem:$0x170];
	_ =	sdelay $0x4  }
0x10a: {  	v55 =	vshll.u32 v3, $0x1  }
0x10b: {  	v3 =	vand.u32 $0x7, v3;
	v4 =	vand.u32 $0xFFFFFFF0, v55  }
0x10c: {  	v3 =	vor.u32 v3, v4  }
0x10d: {  	v4 =	vperm.xlane v3, v0;
	_ =	sdelay $0x1  }
0x10e: {  	v3 =	vperm.xlane v3, v2;
	v4 =	vadd.s32 v1, v4;
	_ =	sdelay $0x1  }
0x10f: {  	v3 =	vadd.s32 v1, v3;
	_ =	sdelay $0x2  }
0x110: {  	[tilespmem:s25], [sflag:$0x1] =	stream.indirect_vreg.gather [hbm4b:s1+s3], $0x80, v4, vm0, $0xb8;
	[tilespmem:$0x8200] =	vst v63  }
0x111: {  	_ = 	snop  }
0x112: {  	[tilespmem:s26], [sflag:$0x1] =	stream.indirect_vreg.gather [hbm4b:s1+s3], $0x80, v3, vm0, $0xb8;
	[tilespmem:$0x8200] =	vst v63  }
0x113: {  	_ =	swait.ge [sflag:s28], $0x8000  }
0x114: {  	[sflag:s28] =	ssyncset.done $0x0  }
0x115: {  	[sflag:s28] =	ssyncadd.s32 $0xFFFF8000  }
0x116: {  	[hbm4b:s7+s3] =	stream.linear.scatter [tilespmem:s11], [sflag:$0x2], $0x8000, $0x38;
	[tilespmem:$0x8200] =	vst v63  }
0x117: {  	_ =	swait.ge [sflag:s10], $0x8000  }
0x118: {  	[sflag:s10] =	ssyncset.done $0x0  }
0x119: {  	[sflag:s10] =	ssyncadd.s32 $0xFFFF8000  }
0x11a: {  	v3 =	vld [tilespmem:$0x180];
	_ =	sdelay $0x4  }
0x11b: {  	v56 =	vshll.u32 v3, $0x1  }
0x11c: {  	v3 =	vand.u32 $0x7, v3;
	v4 =	vand.u32 $0xFFFFFFF0, v56  }
0x11d: {  	v3 =	vor.u32 v3, v4  }
0x11e: {  	v4 =	vperm.xlane v3, v0;
	_ =	sdelay $0x1  }
0x11f: {  	v3 =	vperm.xlane v3, v2;
	v4 =	vadd.s32 v1, v4;
	_ =	sdelay $0x1  }
0x120: {  	v3 =	vadd.s32 v1, v3;
	_ =	sdelay $0x2  }
0x121: {  	[tilespmem:s11], [sflag:$0x1] =	stream.indirect_vreg.gather [hbm4b:s1+s3], $0x80, v4, vm0, $0xb8;
	[tilespmem:$0x8200] =	vst v63  }
0x122: {  	_ = 	snop  }
0x123: {  	[tilespmem:s12], [sflag:$0x1] =	stream.indirect_vreg.gather [hbm4b:s1+s3], $0x80, v3, vm0, $0xb8;
	[tilespmem:$0x8200] =	vst v63  }
0x124: {  	v3 =	vld [tilespmem:$0x190];
	_ =	sdelay $0x4  }
0x125: {  	v57 =	vshll.u32 v3, $0x1  }
0x126: {  	v3 =	vand.u32 $0x7, v3;
	v4 =	vand.u32 $0xFFFFFFF0, v57  }
0x127: {  	v3 =	vor.u32 v3, v4  }
0x128: {  	v4 =	vperm.xlane v3, v0;
	_ =	sdelay $0x1  }
0x129: {  	v3 =	vperm.xlane v3, v2;
	v4 =	vadd.s32 v1, v4;
	_ =	sdelay $0x1  }
0x12a: {  	v3 =	vadd.s32 v1, v3;
	_ =	sdelay $0x2  }
0x12b: {  	[tilespmem:s13], [sflag:$0x1] =	stream.indirect_vreg.gather [hbm4b:s1+s3], $0x80, v4, vm0, $0xb8;
	[tilespmem:$0x8200] =	vst v63  }
0x12c: {  	_ = 	snop  }
0x12d: {  	[tilespmem:s14], [sflag:$0x1] =	stream.indirect_vreg.gather [hbm4b:s1+s3], $0x80, v3, vm0, $0xb8;
	[tilespmem:$0x8200] =	vst v63  }
0x12e: {  	v3 =	vld [tilespmem:$0x1A0];
	_ =	sdelay $0x4  }
0x12f: {  	v58 =	vshll.u32 v3, $0x1  }
0x130: {  	v3 =	vand.u32 $0x7, v3;
	v4 =	vand.u32 $0xFFFFFFF0, v58  }
0x131: {  	v3 =	vor.u32 v3, v4  }
0x132: {  	v4 =	vperm.xlane v3, v0;
	_ =	sdelay $0x1  }
0x133: {  	v3 =	vperm.xlane v3, v2;
	v4 =	vadd.s32 v1, v4;
	_ =	sdelay $0x1  }
0x134: {  	v3 =	vadd.s32 v1, v3;
	_ =	sdelay $0x2  }
0x135: {  	[tilespmem:s15], [sflag:$0x1] =	stream.indirect_vreg.gather [hbm4b:s1+s3], $0x80, v4, vm0, $0xb8;
	[tilespmem:$0x8200] =	vst v63  }
0x136: {  	_ = 	snop  }
0x137: {  	[tilespmem:s16], [sflag:$0x1] =	stream.indirect_vreg.gather [hbm4b:s1+s3], $0x80, v3, vm0, $0xb8;
	[tilespmem:$0x8200] =	vst v63  }
0x138: {  	v3 =	vld [tilespmem:$0x1B0];
	_ =	sdelay $0x4  }
0x139: {  	v59 =	vshll.u32 v3, $0x1  }
0x13a: {  	v3 =	vand.u32 $0x7, v3;
	v4 =	vand.u32 $0xFFFFFFF0, v59  }
0x13b: {  	v3 =	vor.u32 v3, v4  }
0x13c: {  	v4 =	vperm.xlane v3, v0;
	_ =	sdelay $0x1  }
0x13d: {  	v3 =	vperm.xlane v3, v2;
	v4 =	vadd.s32 v1, v4;
	_ =	sdelay $0x1  }
0x13e: {  	v3 =	vadd.s32 v1, v3;
	_ =	sdelay $0x2  }
0x13f: {  	[tilespmem:s17], [sflag:$0x1] =	stream.indirect_vreg.gather [hbm4b:s1+s3], $0x80, v4, vm0, $0xb8;
	[tilespmem:$0x8200] =	vst v63  }
0x140: {  	_ = 	snop  }
0x141: {  	[tilespmem:s18], [sflag:$0x1] =	stream.indirect_vreg.gather [hbm4b:s1+s3], $0x80, v3, vm0, $0xb8;
	[tilespmem:$0x8200] =	vst v63  }
0x142: {  	v3 =	vld [tilespmem:$0x1C0];
	_ =	sdelay $0x4  }
0x143: {  	v60 =	vshll.u32 v3, $0x1  }
0x144: {  	v3 =	vand.u32 $0x7, v3;
	v4 =	vand.u32 $0xFFFFFFF0, v60  }
0x145: {  	v3 =	vor.u32 v3, v4  }
0x146: {  	v4 =	vperm.xlane v3, v0;
	_ =	sdelay $0x1  }
0x147: {  	v3 =	vperm.xlane v3, v2;
	v4 =	vadd.s32 v1, v4;
	_ =	sdelay $0x1  }
0x148: {  	v3 =	vadd.s32 v1, v3;
	_ =	sdelay $0x2  }
0x149: {  	[tilespmem:s19], [sflag:$0x1] =	stream.indirect_vreg.gather [hbm4b:s1+s3], $0x80, v4, vm0, $0xb8;
	[tilespmem:$0x8200] =	vst v63  }
0x14a: {  	_ = 	snop  }
0x14b: {  	[tilespmem:s20], [sflag:$0x1] =	stream.indirect_vreg.gather [hbm4b:s1+s3], $0x80, v3, vm0, $0xb8;
	[tilespmem:$0x8200] =	vst v63  }
0x14c: {  	v3 =	vld [tilespmem:$0x1D0];
	_ =	sdelay $0x4  }
0x14d: {  	v61 =	vshll.u32 v3, $0x1  }
0x14e: {  	v3 =	vand.u32 $0x7, v3;
	v4 =	vand.u32 $0xFFFFFFF0, v61  }
0x14f: {  	v3 =	vor.u32 v3, v4  }
0x150: {  	v4 =	vperm.xlane v3, v0;
	_ =	sdelay $0x1  }
0x151: {  	v3 =	vperm.xlane v3, v2;
	v4 =	vadd.s32 v1, v4;
	_ =	sdelay $0x1  }
0x152: {  	v3 =	vadd.s32 v1, v3;
	_ =	sdelay $0x2  }
0x153: {  	[tilespmem:s21], [sflag:$0x1] =	stream.indirect_vreg.gather [hbm4b:s1+s3], $0x80, v4, vm0, $0xb8;
	[tilespmem:$0x8200] =	vst v63  }
0x154: {  	_ = 	snop  }
0x155: {  	[tilespmem:s22], [sflag:$0x1] =	stream.indirect_vreg.gather [hbm4b:s1+s3], $0x80, v3, vm0, $0xb8;
	[tilespmem:$0x8200] =	vst v63  }
0x156: {  	v3 =	vld [tilespmem:$0x1E0];
	_ =	sdelay $0x4  }
0x157: {  	v62 =	vshll.u32 v3, $0x1  }
0x158: {  	v3 =	vand.u32 $0x7, v3;
	v4 =	vand.u32 $0xFFFFFFF0, v62  }
0x159: {  	v3 =	vor.u32 v3, v4  }
0x15a: {  	v4 =	vperm.xlane v3, v0;
	_ =	sdelay $0x1  }
0x15b: {  	v3 =	vperm.xlane v3, v2;
	v4 =	vadd.s32 v1, v4;
	_ =	sdelay $0x1  }
0x15c: {  	v3 =	vadd.s32 v1, v3;
	_ =	sdelay $0x2  }
0x15d: {  	[tilespmem:s23], [sflag:$0x1] =	stream.indirect_vreg.gather [hbm4b:s1+s3], $0x80, v4, vm0, $0xb8;
	[tilespmem:$0x8200] =	vst v63  }
0x15e: {  	_ = 	snop  }
0x15f: {  	[tilespmem:s24], [sflag:$0x1] =	stream.indirect_vreg.gather [hbm4b:s1+s3], $0x80, v3, vm0, $0xb8;
	[tilespmem:$0x8200] =	vst v63  }
0x160: {  	v3 =	vld [tilespmem:$0x1F0];
	_ =	sdelay $0x4  }
0x161: {  	v63 =	vshll.u32 v3, $0x1  }
0x162: {  	v3 =	vand.u32 $0x7, v3;
	v4 =	vand.u32 $0xFFFFFFF0, v63  }
0x163: {  	v3 =	vor.u32 v3, v4  }
0x164: {  	v4 =	vperm.xlane v3, v0;
	_ =	sdelay $0x1  }
0x165: {  	v3 =	vperm.xlane v3, v2;
	v4 =	vadd.s32 v1, v4;
	_ =	sdelay $0x1  }
0x166: {  	v3 =	vadd.s32 v1, v3;
	_ =	sdelay $0x2  }
0x167: {  	[tilespmem:s25], [sflag:$0x1] =	stream.indirect_vreg.gather [hbm4b:s1+s3], $0x80, v4, vm0, $0xb8;
	[tilespmem:$0x8200] =	vst v63  }
0x168: {  	_ = 	snop  }
0x169: {  	[tilespmem:s26], [sflag:$0x1] =	stream.indirect_vreg.gather [hbm4b:s1+s3], $0x80, v3, vm0, $0xb8;
	[tilespmem:$0x8200] =	vst v63  }
0x16a: {  	_ =	swait.ge [sflag:s28], $0x8000  }
0x16b: {  	p0 =	sne.s32 s9, $0x1;
	[sflag:s28] =	ssyncset.done $0x0  }
.Ltmp0:
0x16c: {  	[sflag:s28] =	ssyncadd.s32 $0xFFFF8000;
	(pc) =	sbr.rel @p0 .LBB2_1-.Ltmp0, $4  }
0x16d: {  	[hbm4b:s8+s3] =	stream.linear.scatter [tilespmem:s11], [sflag:$0x2], $0x8000, $0x38;
	[tilespmem:$0x8200] =	vst v63  }
0x16e: {  	_ =	swait.ge [sflag:s10], $0x8000  }
0x16f: {  	[sflag:s10] =	ssyncset.done $0x0  }
0x170: {  	s9 =	sadd.s32 $0xFFFFFFFF, s9;
	[sflag:s10] =	ssyncadd.s32 $0xFFFF8000  }
0x171: {  	_ =	sfence.sel $0x180000  }
0x172: {  	[bflag:$0x0] =	sbarrier.arrive $0xFFFF  }
0x173: {  	p0 =	sne.s32 s2, $0x0;
	_ =	strace $0x9000004A  }
0x174: {  	s0 =	sadd.s32 @!p0 $0x100000, s0;
	[bflag:$0x2] =	sbarrier.arrive $0xFFFF  }
0x175: {  	[sflag:s0] =	ssyncadd.tile.s32 @!p0 $0x1;
	_ =	shalt  }
.Lfunc_end2:
_tile_overlayer_lowered:
.L_overlay_start_2:
0x176: {  	(tag) =	ssettag $0x2  }
0x177: {  	s0 =	rddreg [dreg:$0x0];
	s2 =	stileid.u32  }
0x178: {  	s1 =	rddreg [dreg:$0x1];
	p0 =	sne.s32 s2, $0x0  }
0x179: {  	s3 =	rddreg [dreg:$0x2];
	[bflag:$0x3] =	sbarrier.arrive $0xFFFF;
	s2 =	simm.s32 @!p0 $0x1C02  }
0x17a: {  	[timem:s3], [sflag:s2] =	dma.local @!p0 [hbm:s0], s1  }
0x17b: {  	s0 =	simm.s32 @!p0 $0x2  }
0x17c: {  	_ =	swait.ge @!p0 [sflag:s0], s1  }
0x17d: {  	s1 =	ssub.s32 @!p0 $0x0, s1;
	[sflag:s0] =	ssyncset.done @!p0 $0x0  }
0x17e: {  	[sflag:s0] =	ssyncadd.s32 @!p0 s1  }
0x17f: {  	[bflag:$0x3] =	sbarrier.arrive $0xFFFF  }
0x180: {  	_ =	shalt  }

// kernel: scatter_offload_async_start
scs
__scs_entry_jumppad:
0x0: {  	(pc) =	sbr.rel $0x88, $3  }
0x1: {  	(tag) =	ssettag $0x0;
	lr =	simm.s32 $0x1  }
0x2: {  	[smem:$0x3F9F] =	sst lr;
	_ =	strace $0xD0000000  }
0x3: {  	_ = 	snop  }
0x4: {  	_ = 	snop  }
0x5: {  	_ = 	snop  }
0x6: {  	_ = 	snop  }
0x7: {  	_ = 	snop  }
__scs_overlays_trampoline_lowered:
0x8: {  	[smem:$0x3FAE] =	sst s0  }
0x9: {  	[smem:$0x3FAF] =	sst s1  }
0xa: {  	[smem:$0x3FB0] =	sst s2  }
0xb: {  	[smem:$0x3FB1] =	sst s3  }
0xc: {  	[smem:$0x3FB2] =	sst s4  }
0xd: {  	[smem:$0x3FB3] =	sst s5  }
0xe: {  	[smem:$0x3FB4] =	sst s6  }
0xf: {  	[smem:$0x3FB5] =	sst s7  }
0x10: {  	[smem:$0x3FB6] =	sst s8  }
0x11: {  	[smem:$0x3FB7] =	sst s9;
	s0 =	simm.s32 @!p0 $0x0  }
0x12: {  	s1 =	sld [smem:$0x3F9D];
	s0 =	simm.s32 @p0 $0x1  }
0x13: {  	[smem:$0x3FB8] =	sst s0;
	s0 =	simm.s32 @!p1 $0x0  }
0x14: {  	s2 =	sld [smem:$0x3F9C];
	s0 =	simm.s32 @p1 $0x1  }
0x15: {  	[smem:$0x3FB9] =	sst s0;
	s0 =	simm.s32 @!p2 $0x0  }
0x16: {  	s3 =	sld [smem:$0x3FDB];
	s0 =	simm.s32 @p2 $0x1  }
0x17: {  	s4 =	simm.s32 $0x1BF5;
	[smem:$0x3FBB] =	sst s0  }
0x18: {  	s0 =	sld [smem:$0x3F9E];
	_ =	swait.ge [sflag:s4], $0x0  }
0x19: {  	s7 =	sld [smem:$0x3F9F]  }
0x1a: {  	s8 =	sadd.s32 $0xFFFFE003, lr  }
0x1b: {  	s9 =	sadd.s32 $0xFFFFFEF7, lr;
	s5 =	simm.s32 $0xFFFFFFFF;
	p2 =	slt.u32 s8, $0xFFFFF086  }
0x1c: {  	p1 =	slt.u32 s9, $0xF7A;
	s5 =	simm.s32 @!p2 $0x0  }
0x1d: {  	s5 =	simm.s32 @p1 $0x1;
	p0 =	seq.s32 s7, s2  }
0x1e: {  	s7 =	smul.u32 @!p0 $0xF7A, s2;
	p2 =	seq.s32 @!p0 s5, $0x0  }
0x1f: {  	s9 =	smul.u32 $0xF7A, s1;
	s8 =	simm.s32 @!p0 $0x1BF5;
	p2 =	por !p2, p0  }
0x20: {  	[sflag:s8] =	ssyncset.s32 @!p0 $0xFFFFF086;
	s6 =	sadd.s32 @!p0 s3, s7;
	s7 =	simm.s32 @!p0 $0x108  }
0x21: {  	s3 =	sadd.s32 s3, s9;
	s6 =	sadd.s32 @!p0 $0x88, s6;
	s7 =	simm.s32 @p2 $0x1082  }
0x22: {  	[simem:s7], [sflag:s8] =	dma.local @!p0 [hbm:s6], $0xF7A  }
0x23: {  	s9 =	sor.u32 $0xD0000000, s2;
	s6 =	simm.s32 $0x108;
	_ =	swait.ge @!p0 [sflag:s8], $0x0  }
0x24: {  	s3 =	sadd.s32 $0x88, s3;
	s6 =	simm.s32 @!p1 $0x1082;
	[sflag:s4] =	ssyncset.s32 $0xFFFFF086  }
0x25: {  	[simem:s6], [sflag:s4] =	dma.local [hbm:s3], $0xF7A  }
0x26: {  	[smem:$0x3F9F] =	sst s1;
	(tag) =	ssettag s2;
	_ =	strace s9  }
0x27: {  	s1 =	sld [smem:$0x3FAF]  }
0x28: {  	s2 =	sld [smem:$0x3FB0]  }
0x29: {  	s4 =	sld [smem:$0x3FB2]  }
0x2a: {  	p0 =	seq.s32 s5, $0x0;
	s5 =	sld [smem:$0x3FB3]  }
0x2b: {  	s6 =	sld [smem:$0x3FB4]  }
0x2c: {  	s7 =	sld [smem:$0x3FB5]  }
0x2d: {  	s3 =	simm.s32 $0x108;
	s8 =	sld [smem:$0x3FB6]  }
0x2e: {  	s3 =	simm.s32 @!p0 $0x1082;
	s9 =	sld [smem:$0x3FB7]  }
0x2f: {  	lr =	sadd.s32 s0, s3;
	s0 =	sld [smem:$0x3FAE]  }
0x30: {  	s3 =	sld [smem:$0x3FB1]  }
0x31: {  	[smem:$0x3FBA] =	sst s10  }
0x32: {  	s10 =	sld [smem:$0x3FB8];
	_ =	sdelay $0x3  }
0x33: {  	p0 =	seq.s32 s10, $0x1;
	s10 =	sld [smem:$0x3FBA];
	_ =	sdelay $0x3  }
0x34: {  	[smem:$0x3FBA] =	sst s10  }
0x35: {  	s10 =	sld [smem:$0x3FB9];
	_ =	sdelay $0x3  }
0x36: {  	p1 =	seq.s32 s10, $0x1;
	s10 =	sld [smem:$0x3FBA];
	_ =	sdelay $0x3  }
0x37: {  	[smem:$0x3FBA] =	sst s10  }
0x38: {  	s10 =	sld [smem:$0x3FBB]  }
0x39: {  	_ = 	snop;
	(pc) =	sbr.ind lr, $3  }
0x3a: {  	_ = 	snop  }
0x3b: {  	_ = 	snop  }
0x3c: {  	p2 =	seq.s32 s10, $0x1;
	s10 =	sld [smem:$0x3FBA]  }
0x3d: {  	_ =	shalt  }
0x3e: {  	_ =	shalt  }
0x3f: {  	_ =	shalt  }
0x40: {  	_ =	shalt  }
0x41: {  	_ =	shalt  }
0x42: {  	_ =	shalt  }
0x43: {  	_ =	shalt  }
0x44: {  	_ =	shalt  }
0x45: {  	_ =	shalt  }
0x46: {  	_ =	shalt  }
0x47: {  	_ =	shalt  }
0x48: {  	_ =	shalt  }
0x49: {  	_ =	shalt  }
0x4a: {  	_ =	shalt  }
0x4b: {  	_ =	shalt  }
0x4c: {  	_ =	shalt  }
0x4d: {  	_ =	shalt  }
0x4e: {  	_ =	shalt  }
0x4f: {  	_ =	shalt  }
0x50: {  	_ =	shalt  }
0x51: {  	_ =	shalt  }
0x52: {  	_ =	shalt  }
0x53: {  	_ =	shalt  }
0x54: {  	_ =	shalt  }
0x55: {  	_ =	shalt  }
0x56: {  	_ =	shalt  }
0x57: {  	_ =	shalt  }
0x58: {  	_ =	shalt  }
0x59: {  	_ =	shalt  }
0x5a: {  	_ =	shalt  }
0x5b: {  	_ =	shalt  }
0x5c: {  	_ =	shalt  }
0x5d: {  	_ =	shalt  }
0x5e: {  	_ =	shalt  }
0x5f: {  	_ =	shalt  }
0x60: {  	_ =	shalt  }
0x61: {  	_ =	shalt  }
0x62: {  	_ =	shalt  }
0x63: {  	_ =	shalt  }
0x64: {  	_ =	shalt  }
0x65: {  	_ =	shalt  }
0x66: {  	_ =	shalt  }
0x67: {  	_ =	shalt  }
0x68: {  	_ =	shalt  }
0x69: {  	_ =	shalt  }
0x6a: {  	_ =	shalt  }
0x6b: {  	_ =	shalt  }
0x6c: {  	_ =	shalt  }
0x6d: {  	_ =	shalt  }
0x6e: {  	_ =	shalt  }
0x6f: {  	_ =	shalt  }
0x70: {  	_ =	shalt  }
0x71: {  	_ =	shalt  }
0x72: {  	_ =	shalt  }
0x73: {  	_ =	shalt  }
0x74: {  	_ =	shalt  }
0x75: {  	_ =	shalt  }
0x76: {  	_ =	shalt  }
0x77: {  	_ =	shalt  }
0x78: {  	_ =	shalt  }
0x79: {  	_ =	shalt  }
0x7a: {  	_ =	shalt  }
0x7b: {  	_ =	shalt  }
0x7c: {  	_ =	shalt  }
0x7d: {  	_ =	shalt  }
0x7e: {  	_ =	shalt  }
0x7f: {  	_ =	shalt  }
0x80: {  	_ =	shalt  }
0x81: {  	_ =	shalt  }
0x82: {  	_ =	shalt  }
0x83: {  	_ =	shalt  }
0x84: {  	_ =	shalt  }
0x85: {  	_ =	shalt  }
0x86: {  	_ =	shalt  }
0x87: {  	_ =	shalt  }
.Lfunc_end0:
.L_simem_size_0:
called_computation_lowered:
.L_overlay_start_0:
0x88: {  	s0 =	sld [smem:$0x3FD9]  }
0x89: {  	s1 =	sld [smem:$0x3FFE];
	_ =	sdelay $0x3  }
0x8a: {  	s0 =	sadd.s32 s1, s0  }
0x8b: {  	[smem:$0x3FC6] =	sst s0  }
0x8c: {  	_ = 	snop  }
0x8d: {  	s0 =	sld [smem:$0x3FD0];
	_ =	sdelay $0x2  }
0x8e: {  	s13 =	simm.s32 $0xB;
	s2 =	simm.s32 $0x10  }
0x8f: {  	[smem:s2], [sflag:s13] =	dma.local [hbm:s0], $0x1  }
0x90: {  	_ =	swait.eq [sflag:s13], $0x1  }
0x91: {  	[sflag:s13] =	ssyncset.done $0x0  }
0x92: {  	[sflag:s13] =	ssyncadd.s32 $0xFFFFFFFF  }
0x93: {  	s14 =	sld [smem:$0x11];
	(tm) =	ssettm $0x1  }
0x94: {  	s15 =	sld [smem:$0x3FFB];
	_ =	sdelay $0x3  }
0x95: {  	_ =	strace s15  }
0x96: {  	s1 =	sld [smem:$0x3FFC];
	_ =	sdelay $0x3  }
0x97: {  	_ =	strace s1  }
0x98: {  	s1 =	sld [smem:$0x3FFD];
	_ =	sdelay $0x3  }
0x99: {  	_ =	strace s1  }
0x9a: {  	_ =	strace $0x8FFFFFFF  }
0x9b: {  	s16 =	sld [smem:$0x3FDB];
	_ =	sdelay $0x1  }
0x9c: {  	s17 =	simm.s32 $_scs_section_size  }
0x9d: {  	s3 =	simm.s32 $_size__tile_overlayer_lowered;
	s4 =	simm.s32 $_tile_overlayer_lowered  }
0x9e: {  	s20 =	simm.s32 $0x1BFF;
	s19 =	sshll.u32 s4, $0x1;
	s1 =	sadd.s32 s17, s16  }
0x9f: {  	s5 =	simm.s32 $0x0;
	s18 =	sshll.u32 s3, $0x1;
	s3 =	sadd.s32 s19, s1  }
0xa0: {  	[timem:s5], [sflag:s20] =	dma.local [hbm:s3], s18  }
0xa1: {  	_ =	swait.ge [sflag:s20], s18  }
0xa2: {  	s2 =	ssub.s32 $0x0, s18;
	[sflag:s20] =	ssyncset.done $0x0  }
0xa3: {  	[sflag:s20] =	ssyncadd.s32 s2;
	_ =	sdelay $0x1  }
0xa4: {  	s21 =	simm.s32 $0x1B8B  }
0xa5: {  	_ =	swait.ge [sflag:s21], $0x1  }
0xa6: {  	[sflag:s21] =	ssyncset.done $0x0  }
0xa7: {  	s23 =	simm.s32 $0x1B8E;
	s22 =	sld [smem:$0x3FFE];
	[sflag:s21] =	ssyncadd.s32 $0xFFFFFFFF  }
0xa8: {  	s24 =	simm.s32 $execute0_lowered;
	[smem:$0x3FD2] =	sst s23  }
0xa9: {  	s3 =	sshll.u32 s24, $0x1;
	_ =	strace $0x80000046;
	[dreg:$0x1] =	wrdreg $0xFFFFFFFF  }
0xaa: {  	s25 =	simm.s32 $_size_execute0_lowered;
	s1 =	sadd.s32 s1, s3;
	[dreg:$0x0] =	wrdreg $0x0  }
0xab: {  	s3 =	sshll.u32 s25, $0x1;
	[dreg:$0x2] =	wrdreg s1  }
0xac: {  	[dreg:$0x3] =	wrdreg s3  }
0xad: {  	[dreg:$0x4] =	wrdreg $0xC0  }
0xae: {  	_ =	task [dreg:s5], $0x5FFFF  }
0xaf: {  	[dreg:$0x1] =	wrdreg $0xFFFFFFFF  }
0xb0: {  	[dreg:$0x0] =	wrdreg $0x60  }
0xb1: {  	[dreg:$0x2] =	wrdreg s22  }
0xb2: {  	[dreg:$0x3] =	wrdreg s14  }
0xb3: {  	[dreg:$0x4] =	wrdreg $0x9  }
0xb4: {  	_ =	task.clear_ibuf [dreg:s5], $0x5FFFF;
	_ =	strace $0x90000046  }
0xb5: {  	s26 =	simm.s32 $0x9;
	_ =	strace $0x80000048  }
0xb6: {  	_ =	swait.ge [sflag:s26], $0x1  }
0xb7: {  	[sflag:s26] =	ssyncadd.s32 $0xFFFFFFFF  }
0xb8: {  	_ =	strace $0x90000048  }
0xb9: {  	_ =	sfence  }
0xba: {  	s28 =	sld [smem:$0x0];
	_ =	sdelay $0x1  }
0xbb: {  	s29 =	srdreg.scid  }
0xbc: {  	s30 =	sshll.u32 s29, $0xD;
	s31 =	sshrl.u32 s29, $0x2  }
0xbd: {  	s2 =	sand.u32 $0x4000, s30;
	s1 =	sand.u32 $0x1, s29;
	s0 =	sadd.s32 s31, s28  }
0xbe: {  	s1 =	sor.u32 s2, s1;
	s0 =	sshll.u32 s0, $0x11  }
0xbf: {  	s0 =	sor.u32 s0, s1  }
0xc0: {  	s0 =	sadd.s32 $0x8F2B, s0  }
0xc1: {  	[sflag:s0] =	ssyncadd.remote.s32 $0x1  }
0xc2: {  	_ =	sfence.sel $0xFFFF  }
0xc3: {  	[dreg:$0x0] =	wrdreg $0xFFFFFFFF;
	(pc) =	sbr.abs _section_cstart, $3  }
0xc4: {  	[dreg:$0x1] =	wrdreg $0xFFFFFFFF  }
0xc5: {  	_ =	task.clear_ibuf [dreg:s5], $0x2FFFF;
	_ =	strace $0x9FFFFFFF  }
0xc6: {  	(tm) =	ssettm $0x7FFFFFFF  }
0xc7: {  	_ =	shalt  }
tec
execute0_lowered:
.L_overlay_start_1:
0x0: {  	(tag) =	ssettag $0x1  }
0x1: {  	s0 =	rddreg [dreg:$0x0];
	_ =	strace $0x80000047;
	s4 =	simm.s32 $0x1  }
0x2: {  	v1 =	vimm.s32 $0xFFFFFFFF;
	[sflag:s4] =	ssyncpa.u1 $0x0  }
0x3: {  	[tilespmem:$0x10] =	vst v1  }
0x4: {  	v0 =	vimm.f32 $0.0e+00;
	[tilespmem:$0x20] =	vst v1  }
0x5: {  	[tilespmem:$0x30] =	vst v0  }
0x6: {  	s2 =	simm.s32 $0x2;
	s6 =	simm.s32 $0x7;
	s26 =	stileid.u32;
	[tilespmem:$0x40] =	vst v0  }
0x7: {  	s7 =	simm.s32 $0x8;
	s31 =	simm.s32 $0x9;
	s14 =	simm.s32 $0x0;
	[tilespmem:$0x50] =	vst v0  }
0x8: {  	s15 =	simm.s32 $0x100;
	s17 =	simm.s32 $0x4FF;
	s18 =	simm.s32 $0x10;
	[tilespmem:$0x60] =	vst v1  }
0x9: {  	s19 =	simm.s32 $0x2500;
	s20 =	simm.s32 $0xF;
	s21 =	simm.s32 $0x50;
	[tilespmem:$0x70] =	vst v1  }
0xa: {  	s22 =	simm.s32 $0x10FF;
	s23 =	simm.s32 $0x20;
	s24 =	simm.s32 $0x30;
	[tilespmem:$0x80] =	vst v1  }
0xb: {  	s25 =	simm.s32 $0x20FF;
	s30 =	simm.s32 $0x0;
	s29 =	simm.s32 $0x0;
	v1 =	vimm.s32 $0x0;
	[tilespmem:$0xB0] =	vst v0  }
.Ltmp0:
0xc: {  	s1 =	sadd.s32 $0x1000, s0;
	s5 =	sadd.s32 $0x800, s0;
	[tilespmem:$0x90] =	vst v1;
	(pc) =	sbr.rel .LBB2_1-.Ltmp0, $4  }
0xd: {  	s8 =	sshll.u32 s26, $0xA;
	s10 =	sshll.u32 s26, $0x1;
	[tilespmem:$0xA0] =	vst v1;
	[sflag:s2] =	ssyncpa.u1 $0x0  }
0xe: {  	s12 =	sshllo.u32 s26, $0x1;
	s26 =	simm.s32 $0x80;
	[sflag:s6] =	ssyncpa.u1 $0x0  }
0xf: {  	vm0 =	vmmov $0xffff;
	v2 =	vlaneseq.u32;
	s9 =	sadd.s32 $0x400, s8;
	s11 =	sor.u32 $0x81, s10;
	[sflag:s7] =	ssyncpa.u1 $0x0  }
0x10: {  	vm1 =	vmxor vm1, vm1;
	vm2 =	vmmov $0x1;
	vm3 =	vcmask $0x3F3C;
	s13 =	sor.u32 $0x80, s10;
	s28 =	smov.u32 s8;
	[sflag:s31] =	ssyncpa.u1 $0x0  }
.LBB2_3:
0x11: {  	s0 =	sshrl.u32 s28, $0x3;
	s2 =	rddreg [dreg:$0x1]  }
0x12: {  	s31 =	sand.u32 $0x7, s28;
	s0 =	sadd.s32 s2, s0  }
0x13: {  	[tilespmem:s15], [sflag:$0x7] =	stream.linear.gather [hbm4b:s0+s31], $0x400, $0x38;
	[tilespmem:$0x2520] =	vst v63  }
.LBB2_4:
0x14: {  	s0 =	sadd.s32 $0x400, s28  }
0x15: {  	s2 =	smov.u32 s8;
	s29 =	sadd.s32 $0x1, s29;
	p0 =	slt.s32 s0, s9  }
0x16: {  	s2 =	smov.u32 @p0 s0;
	p0 =	sne.s32 s29, $0x4  }
.Ltmp1:
0x17: {  	_ = 	snop;
	(pc) =	sbr.rel @!p0 .LBB2_13-.Ltmp1, $2  }
0x18: {  	_ =	sdelay $0x2  }
0x19: {  	s30 =	smov.u32 s28;
	s28 =	smov.u32 s2  }
.LBB2_1:
0x1a: {  	p0 =	sgt.s32 s29, $0x1  }
.Ltmp2:
0x1b: {  	_ = 	snop;
	(pc) =	sbr.rel @p0 .LBB2_11-.Ltmp2, $1  }
0x1c: {  	_ =	sdelay $0x3  }
0x1d: {  	p0 =	seq.s32 s29, $0x0  }
.Ltmp3:
0x1e: {  	_ = 	snop;
	(pc) =	sbr.rel @p0 .LBB2_3-.Ltmp3, $1  }
0x1f: {  	_ =	sdelay $0x3  }
0x20: {  	_ =	swait.ge [sflag:s6], $0x400  }
0x21: {  	[sflag:s6] =	ssyncset.done $0x0  }
0x22: {  	[sflag:s6] =	ssyncadd.s32 $0xFFFFFC00;
	(ifvalue) =	ssetifvalue $0xFFFFFFFF;
	v3 =	vld.msk [tilespmem:s15+$0x0 ss:$0x1], $0xffff;
	_ =	sdelay $0x4  }
0x23: {  	v4 =	vperm.xlane v3, v1  }
0x24: {  	vm4 =	vlt.u32 v3, $0x2000  }
0x25: {  	v3 =	vnsel vm4, $0xFFFFFFFE, v3;
	vm4 =	vlt.u32 v4, $0x2000  }
0x26: {  	[tilespmem:$0x70] =	vst v3;
	v3 =	vnsel vm4, $0xFFFFFFFE, v4  }
0x27: {  	s16 =	simm.s32 $0x4F0;
	[tilespmem:$0x80] =	vst v3  }
0x28: {  	v3 =	vld.msk [tilespmem:s16+$0x0 ss:$0x1], $0xffff;
	_ =	sdelay $0x4  }
0x29: {  	(xrf1) =	vunique.msk.u32 $0xffff, v3;
	_ =	sdelay $0xd  }
0x2a: {  	v4 =	vimm.s32 $0xFFFFFFFF;
	v5, _, _ =	vpop (xrf1)  }
0x2b: {  	vm5 =	vne.s32 v3, v4;
	vm4 =	veq.s32 v5, v2  }
0x2c: {  	vm6 =	vlt.u32 v3, $0x2000;
	vm4 =	vmand vm5, vm4  }
0x2d: {  	vm4 =	vmand vm6, vm4  }
0x2e: {  	v4 =	vnsel vm4, $0xFFFFFFFF, v3;
	_ =	sdelay $0x3  }
0x2f: {  	s0 =	simm.s32 $0x10F0;
	(ifvalue) =	ssetifvalue $0xFFFFFFFF  }
0x30: {  	v3 =	vperm.xlane v3, v1;
	[tilespmem:s0], [sflag:$0x8] =	stream.indirect_vreg.gather [hbm4b:s1+s14], $0x1, v4, vm0, $0x4038;
	v4 =	vnsel vm6, $0xFFFFFFFE, v4;
	[tilespmem:$0x2520] =	vst v63  }
0x31: {  	s2 =	simm.s32 $0x0;
	s3 =	simm.s32 $0x4E0;
	[tilespmem:s16+$0x0] =	vst v4  }
.LBB2_6:
0x32: {  	v4 =	vld.msk [tilespmem:s3+$0x0 ss:$0x1], $0xffff;
	s2 =	sadd.s32 $0x10, s2;
	v5 =	vmov v3;
	s16 =	smov.u32 s3  }
0x33: {  	p0 =	slt.u32 s2, $0x3F0;
	_ =	sdelay $0x4  }
0x34: {  	v3 =	vperm.xlane v4, v1;
	(xrf1) =	vunique.msk.u32 $0xffff, v4;
	_ =	sdelay $0xd  }
0x35: {  	v6, _, _ =	vpop (xrf1)  }
0x36: {  	vm5 =	vne.s32 v4, v5;
	vm4 =	veq.s32 v6, v2  }
0x37: {  	vm6 =	vlt.u32 v4, $0x2000;
	vm4 =	vmand vm5, vm4  }
0x38: {  	vm4 =	vmand vm6, vm4  }
0x39: {  	v4 =	vnsel vm4, $0xFFFFFFFF, v4  }
.Ltmp4:
0x3a: {  	v5 =	vnsel vm6, $0xFFFFFFFE, v4;
	(pc) =	sbr.rel @p0 .LBB2_6-.Ltmp4, $3  }
0x3b: {  	_ =	sdelay $0x1  }
0x3c: {  	s3 =	sadd.s32 $0xFFFFFFF0, s3;
	s0 =	sadd.s32 $0xFFFFFFF0, s0;
	(ifvalue) =	ssetifvalue $0xFFFFFFFF  }
0x3d: {  	[tilespmem:s0], [sflag:$0x8] =	stream.indirect_vreg.gather [hbm4b:s1+s14], $0x1, v4, vm0, $0x4038;
	[tilespmem:s16+$0x0] =	vst v5  }
.Ltmp5:
0x3e: {  	(pc) =	sbr.rel .LBB2_4-.Ltmp5, $4  }
0x3f: {  	_ = 	snop  }
0x40: {  	s0 =	sshrl.u32 s30, $0x3  }
0x41: {  	s2 =	simm.s32 $0x1500;
	s0 =	sadd.s32 s5, s0  }
0x42: {  	[tilespmem:s2], [sflag:$0x8] =	stream.linear.gather [hbm:s0], $0x400, $0x38;
	[tilespmem:$0x2520] =	vst v63  }
.LBB2_11:
0x43: {  	p0 =	seq.s32 s29, $0x2  }
.Ltmp6:
0x44: {  	_ = 	snop;
	(pc) =	sbr.rel @!p0 .LBB2_12-.Ltmp6, $1  }
0x45: {  	_ =	sdelay $0x3  }
0x46: {  	_ =	swait.ge [sflag:s7], $0x800  }
0x47: {  	[sflag:s7] =	ssyncset.done $0x0  }
0x48: {  	[sflag:s7] =	ssyncadd.s32 $0xFFFFF800  }
0x49: {  	[spmem:s11] =	stream.linear.scatter [tilespmem:s17], [sflag:$0x1], $0x1, $0x38;
	[tilespmem:$0x2520] =	vst v63  }
0x4a: {  	_ =	swait.ge [sflag:s4], $0x1  }
0x4b: {  	[sflag:s4] =	ssyncset.done $0x0  }
0x4c: {  	[sflag:s4] =	ssyncadd.s32 $0xFFFFFFFF  }
0x4d: {  	v4 =	vld [tilespmem:$0x10]  }
0x4e: {  	v5 =	vld [tilespmem:$0x70]  }
0x4f: {  	v3 =	vld [tilespmem:$0x80];
	_ =	sdelay $0x2  }
0x50: {  	(v2sf) =	vpush v4, $0x0  }
0x51: {  	(v2sf) =	vpush v5, $0x0  }
0x52: {  	(v2sf) =	vpush v3, $0x0;
	_ =	sdelay $0xc  }
0x53: {  	s0 =	spop (v2sf)  }
0x54: {  	s2 =	spop (v2sf)  }
0x55: {  	s30 =	spop (v2sf)  }
0x56: {  	p0 =	seq.s32 s0, s2;
	p1 =	seq.s32 s30, s0  }
0x57: {  	p1 =	por p0, p1  }
0x58: {  	v4 =	vpsel p1, $0xFFFFFFFF, v4  }
0x59: {  	[tilespmem:s18+$0x0] =	vst.msk $0x1, v4  }
0x5a: {  	v4 =	vld [tilespmem:$0x30]  }
0x5b: {  	v5 =	vld [tilespmem:$0x1500]  }
0x5c: {  	v6 =	vld [tilespmem:$0x40];
	_ =	sdelay $0x3  }
0x5d: {  	vm4 =	vmmov vm1;
	v5 =	vadd.f32 v5, v4  }
0x5e: {  	vm5 =	vmmov vm2;
	s31 =	simm.s32 $0x1500;
	vm4 =	vmmov @p0 vm2;
	v4 =	vadd.f32 v6, v4  }
0x5f: {  	vm5 =	vmmov @p1 vm1;
	[tilespmem:s31+$0x0] =	vst.msk vm4, v5  }
0x60: {  	[tilespmem:s19+$0x0] =	vst.msk vm5, v4  }
0x61: {  	v4 =	vld [tilespmem:$0x10F0];
	_ =	sdelay $0x3  }
0x62: {  	v5 =	vimm.f32 $0.0e+00  }
0x63: {  	v4 =	vshift.insert v4, v5, s20;
	_ =	sdelay $0x1  }
0x64: {  	[tilespmem:s21+$0x0] =	vst.msk $0x1, v4  }
0x65: {  	[tilespmem:s22+$0x0] =	vst.msk $0x1, v5  }
0x66: {  	v4 =	vld [tilespmem:$0x4F0];
	_ =	sdelay $0x4  }
0x67: {  	v4 =	vshift.insert v4, v1, s20;
	_ =	sdelay $0x1  }
0x68: {  	[tilespmem:s23+$0x0] =	vst.msk $0x1, v4  }
0x69: {  	s16 =	simm.s32 $0x100;
	v6 =	vld [tilespmem:s31+$0x0]  }
0x6a: {  	v7 =	vld [tilespmem:s16+$0x0];
	_ =	sdelay $0x3  }
0x6b: {  	v5 =	vadd.f32 v6, v5  }
0x6c: {  	vm4 =	vne.s32 v7, $0xFFFFFFFF  }
0x6d: {  	(xrf2) =	vadd.seg.scan.f32 vm4, v5;
	_ =	sdelay $0x3  }
0x6e: {  	s0 =	simm.s32 $0xD00;
	v5 =	vperm.xlane v4, v1  }
0x6f: {  	v6 =	vld [tilespmem:s0+$0x0]  }
0x70: {  	vm5 =	veq.s32 v7, v3;
	vm6 =	veq.s32 v7, v5  }
0x71: {  	vm7 =	vgt.u32 v7, $0xFFFFFFFD;
	vm6 =	vmor vm6, vm5  }
0x72: {  	vm6 =	vmor vm6, vm7  }
0x73: {  	v9 =	vld [tilespmem:$0xA0];
	v7 =	vsel vm6, $0xFFFFFFFF, v7  }
0x74: {  	v10 =	vld [tilespmem:$0x90];
	v6 =	vsel vm5, $0x0, v6;
	v8, _, _ =	vpop (xrf2)  }
0x75: {  	v6 =	vadd.f32 v8, v6  }
0x76: {  	s2 =	simm.s32 $0x1D00  }
0x77: {  	vm4 =	vmand vm4, vm3;
	[tilespmem:s2+$0x0] =	vst v6;
	(ifvalue) =	ssetifvalue $0xFFFFFFFF  }
0x78: {  	vm6 =	veq.s32 v9, $0x1;
	[hbm4b:s1+s14] =	stream.indirect_vreg.scatter [tilespmem:s2], [sflag:$0x2], $0x1, v7, vm0, $0x4038;
	v7 =	vsel vm4, $0x0, v8;
	[tilespmem:$0x2520] =	vst v63  }
0x79: {  	s3 =	simm.s32 $0x0;
	s16 =	simm.s32 $0x110;
	vm4 =	vmor vm6, vm5;
	v6 =	vsel vm5, v8, v10;
	v7 =	vshift.insert v7, v0, s20  }
.LBB2_9:
0x7a: {  	v8 =	vld [tilespmem:s16+$0x0];
	s31 =	sadd.s32 $0x10, s31  }
0x7b: {  	s0 =	sadd.s32 $0x10, s0;
	v9 =	vld [tilespmem:s31+$0x0]  }
0x7c: {  	s3 =	sadd.s32 $0x10, s3;
	v10 =	vld [tilespmem:s0+$0x0]  }
0x7d: {  	p0 =	slt.u32 s3, $0x3F0;
	_ =	sdelay $0x2  }
0x7e: {  	v7 =	vadd.f32 v9, v7  }
0x7f: {  	vm5 =	vne.s32 v8, $0xFFFFFFFF  }
0x80: {  	vm6 =	vmand vm5, vm3;
	(xrf2) =	vadd.seg.scan.f32 vm5, v7;
	_ =	sdelay $0x5  }
0x81: {  	vm7 =	veq.s32 v8, v5;
	vm5 =	veq.s32 v8, v3  }
0x82: {  	vm8 =	vgt.u32 v8, $0xFFFFFFFD;
	vm4 =	vmor vm4, vm5;
	vm7 =	vmor vm7, vm5  }
0x83: {  	vm7 =	vmor vm7, vm8  }
0x84: {  	v8 =	vsel vm7, $0xFFFFFFFF, v8  }
.Ltmp7:
0x85: {  	v7 =	vsel vm5, $0x0, v10;
	v9, _, _ =	vpop (xrf2);
	(pc) =	sbr.rel @p0 .LBB2_9-.Ltmp7, $4  }
0x86: {  	v6 =	vsel vm5, v9, v6;
	v10 =	vadd.f32 v9, v7;
	v7 =	vsel vm6, $0x0, v9  }
0x87: {  	s2 =	sadd.s32 $0x10, s2;
	v7 =	vshift.insert v7, v0, s20  }
0x88: {  	s16 =	sadd.s32 $0x10, s16;
	[tilespmem:s2+$0x0] =	vst v10;
	(ifvalue) =	ssetifvalue $0xFFFFFFFF  }
0x89: {  	[hbm4b:s1+s14] =	stream.indirect_vreg.scatter [tilespmem:s2], [sflag:$0x2], $0x1, v8, vm0, $0x4038;
	[tilespmem:$0x2520] =	vst v63  }
0x8a: {  	v3 =	vld [tilespmem:$0x20F0];
	_ =	sdelay $0x4  }
0x8b: {  	v3 =	vshift.insert v3, v0, s20;
	_ =	sdelay $0x1  }
0x8c: {  	[tilespmem:s24+$0x0] =	vst.msk $0x1, v3  }
0x8d: {  	v3 =	vsel vm4, $0x1, v1;
	[tilespmem:$0x90] =	vst v6  }
0x8e: {  	[tilespmem:$0xA0] =	vst v3  }
0x8f: {  	[spmem:s12] =	stream.linear.scatter [tilespmem:s25], [sflag:$0x1], $0x1, $0x38;
	[tilespmem:$0x2520] =	vst v63  }
0x90: {  	v3 =	vmctz.xlane vm4;
	_ =	swait.ge [sflag:s4], $0x1  }
0x91: {  	(v2sf) =	vpush v4, $0x0  }
0x92: {  	(v2sf) =	vpush v3, $0x0;
	_ =	sdelay $0xd  }
0x93: {  	s0 =	spop (v2sf)  }
0x94: {  	s2 =	spop (v2sf)  }
0x95: {  	[sflag:s4] =	ssyncset.done $0x0;
	p0 =	sne.s32 s30, s0;
	p1 =	slt.s32 s2, $0xF  }
0x96: {  	[sflag:s4] =	ssyncadd.s32 $0xFFFFFFFF;
	v3 =	vimm.s32 @!p0 $0xFFFFFFFF;
	s2 =	simm.s32 @!p1 $0xF  }
0x97: {  	[tilespmem:$0x80] =	vst @!p0 v3;
	s31 =	sadd.s32 $0x90, s2  }
0x98: {  	[spmem:s10] =	stream.linear.scatter [tilespmem:s31], [sflag:$0x1], $0x1, $0x38;
	[tilespmem:$0x2520] =	vst v63  }
0x99: {  	_ =	swait.ge [sflag:s4], $0x1  }
0x9a: {  	[sflag:s4] =	ssyncset.done $0x0  }
0x9b: {  	[sflag:s4] =	ssyncadd.s32 $0xFFFFFFFF  }
0x9c: {  	[spmem:s13] =	stream.linear.scatter [tilespmem:s26], [sflag:$0x1], $0x1, $0x38;
	[tilespmem:$0x2520] =	vst v63  }
0x9d: {  	_ =	swait.ge [sflag:s4], $0x1  }
0x9e: {  	[sflag:s4] =	ssyncset.done $0x0  }
0x9f: {  	[sflag:s4] =	ssyncadd.s32 $0xFFFFFFFF;
	(ifvalue) =	ssetifvalue $0xFFFFFFFF;
	v3 =	vld [tilespmem:$0x10];
	_ =	sdelay $0x3  }
.Ltmp8:
0xa0: {  	_ = 	snop;
	(pc) =	sbr.rel .LBB2_4-.Ltmp8, $3  }
0xa1: {  	_ =	sdelay $0x1  }
0xa2: {  	(ifvalue) =	ssetifvalue $0xFFFFFFFF  }
0xa3: {  	[hbm4b:s1+s14] =	stream.indirect_vreg.scatter [tilespmem:s19], [sflag:$0x9], $0x1, v3, vm0, $0x4038;
	[tilespmem:$0x2520] =	vst v63  }
.LBB2_12:
0xa4: {  	s0 =	simm.s32 $0x2  }
0xa5: {  	_ =	swait.ge [sflag:s0], $0x400  }
0xa6: {  	[sflag:s0] =	ssyncset.done $0x0  }
0xa7: {  	s31 =	simm.s32 $0x9;
	[sflag:s0] =	ssyncadd.s32 $0xFFFFFC00  }
0xa8: {  	_ =	swait.ge [sflag:s31], $0x10  }
0xa9: {  	[sflag:s31] =	ssyncset.done $0x0  }
0xaa: {  	[sflag:s31] =	ssyncadd.s32 $0xFFFFFFF0  }
.LBB2_13:
0xab: {  	_ =	sfence.sel $0x180000  }
0xac: {  	s0 =	simm.s32 $0x7;
	[bflag:$0x0] =	sbarrier.arrive $0xFFFF  }
0xad: {  	s26 =	simm.s32 $0x8;
	[sflag:s0] =	ssyncpa.u1 $0x1  }
0xae: {  	s28 =	simm.s32 $0x9;
	[sflag:s26] =	ssyncpa.u1 $0x1  }
0xaf: {  	[sflag:s28] =	ssyncpa.u1 $0x1  }
0xb0: {  	_ =	sfence.stream.spmem  }
0xb1: {  	s29 =	simm.s32 $0x3;
	[bflag:$0x0] =	sbarrier.arrive $0xFFFF  }
0xb2: {  	s30 =	simm.s32 $0x4;
	[sflag:s29] =	ssyncpa.u1 $0x1  }
0xb3: {  	s31 =	simm.s32 $0x3C;
	s2 =	stileid.u32;
	[sflag:s30] =	ssyncpa.u1 $0x1  }
0xb4: {  	p0 =	sne.s32 s2, $0x0;
	[sflag:s31] =	ssyncpa.u1 $0x1  }
0xb5: {  	s0 =	simm.s32 @p0 $0x1;
	_ =	sfence @p0  }
0xb6: {  	[sflag:s0] =	ssyncpa.u1 @p0 $0x1;
	s0 =	simm.s32 @p0 $0x2  }
0xb7: {  	[sflag:s0] =	ssyncpa.u1 @p0 $0x1  }
0xb8: {  	_ =	strace @p0 $0x90000047  }
0xb9: {  	[bflag:$0x2] =	sbarrier.arrive @p0 $0xFFFF  }
0xba: {  	_ =	shalt @p0  }
.LBB2_14:
0xbb: {  	_ =	sfence.stream.spmem;
	s0 =	simm.s32 $0x5  }
0xbc: {  	s2 =	simm.s32 $0x80;
	s3 =	simm.s32 $0xC0;
	[sflag:s0] =	ssyncpa.u1 $0x0  }
0xbd: {  	[tilespmem:s3], [sflag:$0x5] =	stream.linear.gather [spmem:s2], $0x20, $0x38;
	[tilespmem:$0x2520] =	vst v63  }
0xbe: {  	s2 =	simm.s32 $0x0;
	s3 =	simm.s32 $0xE0  }
0xbf: {  	[tilespmem:s3], [sflag:$0x5] =	stream.linear.gather [spmem:s2], $0x20, $0x38;
	[tilespmem:$0x2520] =	vst v63  }
.Ltmp9:
0xc0: {  	_ = 	snop;
	(pc) =	sbr.rel .LBB2_15-.Ltmp9, $4  }
0xc1: {  	_ =	swait.ge [sflag:s0], $0x40  }
0xc2: {  	[sflag:s0] =	ssyncset.done $0x0  }
0xc3: {  	s31 =	simm.s32 $0x6;
	[sflag:s0] =	ssyncadd.s32 $0xFFFFFFC0  }
0xc4: {  	s4 =	simm.s32 $0x0;
	[sflag:s31] =	ssyncpa.u1 $0x0  }
.LBB2_20:
0xc5: {  	p0 =	sgt.u32 s0, $0x1FFF  }
0xc6: {  	s5 =	sshrl.u32 @!p0 s0, $0x3  }
0xc7: {  	s0 =	sand.u32 @!p0 $0x7, s0;
	s6 =	simm.s32 @!p0 $0xB0;
	s5 =	sadd.s32 @!p0 s1, s5  }
0xc8: {  	[tilespmem:s6], [sflag:$0x6] =	stream.linear.gather @!p0 [hbm4b:s5+s0], $0x1, $0x38;
	[tilespmem:$0x2520] =	vst v63  }
0xc9: {  	s0 =	simm.s32 @!p0 $0x6  }
0xca: {  	_ =	swait.ge @!p0 [sflag:s0], $0x1  }
0xcb: {  	[sflag:s0] =	ssyncset.done @!p0 $0x0  }
0xcc: {  	[sflag:s0] =	ssyncadd.s32 @!p0 $0xFFFFFFFF  }
0xcd: {  	v2 =	vmov @!p0 s4;
	v1 =	vld.msk @!p0 [tilespmem:$0xB0], $0x1;
	_ =	sdelay $0x3  }
0xce: {  	s0 =	simm.s32 @!p0 $0xE0  }
0xcf: {  	[tilespmem:v2+s0+$0x0], v1 =	vst.idx.ret.add.f32.msk @!p0 $0x1, v1  }
0xd0: {  	[tilespmem:s2+$0xC0] =	vst.msk $0x1, v0  }
0xd1: {  	v0 =	vld.msk [tilespmem:s4+$0xE0], $0x1;
	_ =	sdelay $0x4  }
0xd2: {  	[tilespmem:s2+$0xE0] =	vst.msk $0x1, v0;
	s2 =	sadd.s32 $0x1, s2  }
.LBB2_22:
0xd3: {  	s4 =	sadd.s32 $0x1, s4  }
0xd4: {  	p0 =	sne.s32 s4, $0x20  }
.Ltmp10:
0xd5: {  	_ = 	snop;
	(pc) =	sbr.rel @!p0 .LBB2_23-.Ltmp10, $1  }
0xd6: {  	_ =	sdelay $0x3  }
.LBB2_15:
0xd7: {  	v0 =	vld.msk [tilespmem:s4+$0xC0], $0x1;
	_ =	sdelay $0x4  }
0xd8: {  	(v2sf) =	vpush v0, $0x0;
	_ =	sdelay $0xe  }
0xd9: {  	s0 =	spop (v2sf)  }
0xda: {  	p0 =	seq.s32 s0, $0xFFFFFFFF  }
.Ltmp11:
0xdb: {  	_ = 	snop;
	(pc) =	sbr.rel @p0 .LBB2_22-.Ltmp11, $1  }
0xdc: {  	_ =	sdelay $0x3  }
0xdd: {  	p0 =	slt.s32 s2, $0x1  }
.Ltmp12:
0xde: {  	_ = 	snop;
	(pc) =	sbr.rel @p0 .LBB2_20-.Ltmp12, $1  }
0xdf: {  	_ =	sdelay $0x3  }
0xe0: {  	s5 =	simm.s32 $0xC0;
	p0 =	por $0x0, $0x0  }
0xe1: {  	v1 =	vld.msk @!p0 [tilespmem:s5+$0x0], $0x1;
	_ =	sdelay $0x4  }
0xe2: {  	(v2sf) =	vpush @!p0 v1, $0x0;
	_ =	sdelay $0xd  }
0xe3: {  	p2 =	sne.s32 s2, $0x1  }
.Ltmp13:
0xe4: {  	s6 =	spop @!p0 (v2sf);
	(pc) =	sbr.rel @!p2 .LBB2_19-.Ltmp13, $4  }
0xe5: {  	p1 =	seq.s32 @!p0 s0, s6  }
0xe6: {  	s6 =	simm.s32 $0x0;
	p1 =	por !p1, p0  }
0xe7: {  	s8 =	simm.s32 $0xFFFFFFFF;
	s6 =	simm.s32 @p1 $0xFFFFFFFF  }
0xe8: {  	s7 =	simm.s32 $0x1;
	s6 =	smov.u32 @p0 s8  }
.LBB2_18:
0xe9: {  	s8 =	smov.u32 s6;
	p0 =	sne.s32 s6, $0xFFFFFFFF  }
0xea: {  	s5 =	sadd.s32 $0x1, s5;
	s6 =	smov.u32 s7;
	s7 =	sadd.s32 $0x1, s7  }
0xeb: {  	p1 =	sne.s32 s2, s7;
	v1 =	vld.msk @!p0 [tilespmem:s5+$0x0], $0x1;
	_ =	sdelay $0x4  }
0xec: {  	(v2sf) =	vpush @!p0 v1, $0x0;
	_ =	sdelay $0xe  }
.Ltmp14:
0xed: {  	s9 =	spop @!p0 (v2sf);
	(pc) =	sbr.rel @p1 .LBB2_18-.Ltmp14, $4  }
0xee: {  	p2 =	seq.s32 @!p0 s0, s9  }
0xef: {  	p2 =	por !p2, p0  }
0xf0: {  	s6 =	simm.s32 @p2 $0xFFFFFFFF  }
0xf1: {  	s6 =	smov.u32 @p0 s8  }
.LBB2_19:
0xf2: {  	p0 =	sne.s32 s6, $0xFFFFFFFF  }
.Ltmp15:
0xf3: {  	_ = 	snop;
	(pc) =	sbr.rel @!p0 .LBB2_20-.Ltmp15, $1  }
0xf4: {  	_ =	sdelay $0x3  }
0xf5: {  	v0 =	vld.msk [tilespmem:s4+$0xE0], $0x1;
	v1 =	vmov s6  }
.Ltmp16:
0xf6: {  	_ = 	snop;
	(pc) =	sbr.rel .LBB2_22-.Ltmp16, $2  }
0xf7: {  	_ =	sdelay $0x2  }
0xf8: {  	[tilespmem:v1+s3+$0x0], v0 =	vst.idx.ret.add.f32.msk $0x1, v0  }
.LBB2_23:
0xf9: {  	p0 =	slt.s32 s2, $0x1  }
.Ltmp17:
0xfa: {  	_ = 	snop;
	(pc) =	sbr.rel @p0 .LBB2_27-.Ltmp17, $3  }
0xfb: {  	_ =	sdelay $0x1  }
0xfc: {  	s0 =	simm.s32 $0x6  }
0xfd: {  	[sflag:s0] =	ssyncpa.u1 $0x1;
	s0 =	simm.s32 $0x0  }
0xfe: {  	s3 =	simm.s32 $0xC0  }
0xff: {  	v0 =	vld.msk [tilespmem:s3+$0x0], $0x1;
	_ =	sdelay $0x4  }
0x100: {  	(v2sf) =	vpush v0, $0x0;
	_ =	sdelay $0xe  }
0x101: {  	s2 =	sadd.s32 $0xFFFFFFFF, s2;
	s4 =	spop (v2sf)  }
0x102: {  	p1 =	sne.s32 s2, $0x0;
	p0 =	sgt.u32 s4, $0x1FFF  }
.Ltmp18:
0x103: {  	s5 =	sshrl.u32 @!p0 s4, $0x3;
	(pc) =	sbr.rel @!p1 .LBB2_26-.Ltmp18, $4  }
0x104: {  	s3 =	simm.s32 $0xE0;
	s4 =	sand.u32 @!p0 $0x7, s4;
	s5 =	sadd.s32 @!p0 s1, s5  }
0x105: {  	[hbm4b:s5+s4] =	stream.linear.scatter @!p0 [tilespmem:s3], [sflag:$0x5], $0x1, $0x38;
	[tilespmem:$0x2520] =	vst v63  }
0x106: {  	s5 =	simm.s32 $0x0  }
0x107: {  	s4 =	simm.s32 $0xC1;
	s5 =	simm.s32 @!p0 $0x4  }
.LBB2_25:
0x108: {  	v0 =	vld.msk [tilespmem:s4+$0x0], $0x1;
	s2 =	sadd.s32 $0xFFFFFFFF, s2;
	s0 =	sadd.s32 s0, s5  }
0x109: {  	p0 =	sne.s32 s2, $0x0;
	_ =	sdelay $0x3  }
0x10a: {  	(v2sf) =	vpush v0, $0x0;
	_ =	sdelay $0xe  }
.Ltmp19:
0x10b: {  	s6 =	spop (v2sf);
	(pc) =	sbr.rel @p0 .LBB2_25-.Ltmp19, $4  }
0x10c: {  	s5 =	simm.s32 $0x0;
	p1 =	sgt.u32 s6, $0x1FFF  }
0x10d: {  	s3 =	sadd.s32 $0x1, s3;
	s5 =	simm.s32 @!p1 $0x4;
	s7 =	sshrl.u32 @!p1 s6, $0x3  }
0x10e: {  	s4 =	sadd.s32 $0x1, s4;
	s6 =	sand.u32 @!p1 $0x7, s6;
	s7 =	sadd.s32 @!p1 s1, s7  }
0x10f: {  	[hbm4b:s7+s6] =	stream.linear.scatter @!p1 [tilespmem:s3], [sflag:$0x5], $0x1, $0x38;
	[tilespmem:$0x2520] =	vst v63  }
.LBB2_26:
0x110: {  	s0 =	sadd.s32 s0, s5  }
0x111: {  	s0 =	sshrl.u32 s0, $0x2  }
.LBB2_27:
0x112: {  	s1 =	simm.s32 $0x5  }
0x113: {  	_ =	swait.ge [sflag:s1], s0  }
0x114: {  	s28 =	ssub.s32 $0x0, s0;
	[sflag:s1] =	ssyncset.done $0x0  }
0x115: {  	[sflag:s1] =	ssyncadd.s32 s28  }
0x116: {  	[sflag:s1] =	ssyncpa.u1 $0x1  }
0x117: {  	s29 =	simm.s32 $0x1;
	_ =	sfence  }
0x118: {  	s30 =	simm.s32 $0x2;
	[sflag:s29] =	ssyncpa.u1 $0x1  }
0x119: {  	[sflag:s30] =	ssyncpa.u1 $0x1  }
0x11a: {  	_ =	strace $0x90000047  }
0x11b: {  	[bflag:$0x2] =	sbarrier.arrive $0xFFFF  }
0x11c: {  	s31 =	rddreg [dreg:$0x2]  }
0x11d: {  	s0 =	sadd.s32 $0x100000, s31  }
0x11e: {  	[sflag:s0] =	ssyncadd.tile.s32 $0x1;
	_ =	shalt  }
.Lfunc_end2:
_tile_overlayer_lowered:
.L_overlay_start_2:
0x11f: {  	(tag) =	ssettag $0x2  }
0x120: {  	s0 =	rddreg [dreg:$0x0];
	s2 =	stileid.u32  }
0x121: {  	s1 =	rddreg [dreg:$0x1];
	p0 =	sne.s32 s2, $0x0  }
0x122: {  	s3 =	rddreg [dreg:$0x2];
	[bflag:$0x3] =	sbarrier.arrive $0xFFFF;
	s2 =	simm.s32 @!p0 $0x1C01  }
0x123: {  	[timem:s3], [sflag:s2] =	dma.local @!p0 [hbm:s0], s1  }
0x124: {  	s0 =	simm.s32 @!p0 $0x1  }
0x125: {  	_ =	swait.ge @!p0 [sflag:s0], s1  }
0x126: {  	s1 =	ssub.s32 @!p0 $0x0, s1;
	[sflag:s0] =	ssyncset.done @!p0 $0x0  }
0x127: {  	[sflag:s0] =	ssyncadd.s32 @!p0 s1  }
0x128: {  	[bflag:$0x3] =	sbarrier.arrive $0xFFFF  }
0x129: {  	_ =	shalt  }

</sc_bundles>
